<compile_context>
chip_gen: v7x
topology: tpu7x:2x2x1
jax: 0.10.2.dev20260603
libtpu: 0.0.44.dev20260713+nightly
codegen_flags: <defaults>
</compile_context>

<pallas_src>
import functools

import jax
import jax.numpy as jnp
from jax import lax
from jax.experimental import pallas as pl
from jax.experimental.pallas import tpu as pltpu
from jax.experimental.pallas import tpu_sc as plsc

_B, _N = 4, 49152
_H, _W = 180, 240
_S = 48
_SIDX, _ENDBIAS = 3, 10
_EIDX = _S - _ENDBIAS
_NSEG = _EIDX - _SIDX
_SEGLEN = _N // _S
_PAD = 256
_NGRP = 24
_HW = _H * _W
_EV = _NSEG * _SEGLEN
_CSEG = 7
_CH = _CSEG * _SEGLEN
_ROWS = _EV // 8 // 128
_ZCHUNK = 2 * _HW // 16
_ZBUF = 5408


def _hist_body(coords_hbm, out_hbm, coords_v, hist_v):
    wid = lax.axis_index("c") * 16 + lax.axis_index("s")

    @pl.when(wid < _NGRP)
    def _():
        pltpu.sync_copy(coords_hbm.at[wid], coords_v)
        zeros16 = jnp.zeros((16,), jnp.float32)

        def zero_body(i, carry):
            hist_v[pl.ds(i * 16, 16)] = zeros16
            return carry

        lax.fori_loop(0, _PAD, zero_body, 0)

        lane_base = lax.iota(jnp.int32, 16) * _PAD
        ones16 = jnp.ones((16,), jnp.float32)

        def ev_body(e, carry):
            v = coords_v[pl.ds(e * 16, 16)]
            plsc.addupdate_scatter(hist_v, [v + lane_base], ones16)
            return carry

        lax.fori_loop(0, _SEGLEN, ev_body, 0)
        pltpu.sync_copy(hist_v, out_hbm.at[wid])


@functools.lru_cache(maxsize=None)
def _get_hist_kernel():
    return pl.kernel(
        _hist_body,
        out_type=jax.ShapeDtypeStruct((_NGRP, 16 * _PAD), jnp.float32),
        mesh=plsc.VectorSubcoreMesh(core_axis_name="c", subcore_axis_name="s"),
        scratch_types=[
            pltpu.VMEM((_SEGLEN * 16,), jnp.int32),
            pltpu.VMEM((16 * _PAD,), jnp.float32),
        ],
        compiler_params=pltpu.CompilerParams(needs_layout_passes=False),
    )


def _scatter_body(idx_hbm, vals_hbm, out_hbm, idx_v, vals_v, zbuf_v, acc_s):
    c = lax.axis_index("c")
    s = lax.axis_index("s")

    zeros16 = jnp.zeros((16,), jnp.float32)

    def zero_body(i, carry):
        zbuf_v[pl.ds(i * 16, 16)] = zeros16
        return carry

    lax.fori_loop(0, _ZBUF // 16, zero_body, 0)
    pltpu.sync_copy(zbuf_v.at[pl.ds(0, _ZCHUNK)],
                    acc_s.at[pl.ds(s * _ZCHUNK, _ZCHUNK)])
    plsc.subcore_barrier()

    b = c * 2 + s // 8
    chunk = s % 8
    pltpu.sync_copy(idx_hbm.at[b, chunk], idx_v)
    pltpu.sync_copy(vals_hbm.at[b, chunk], vals_v)

    def row_body(j, carry):
        pltpu.sync_copy(vals_v.at[j], acc_s.at[idx_v.at[j]], add=True)
        return carry

    lax.fori_loop(0, _ROWS, row_body, 0)
    plsc.subcore_barrier()

    pltpu.sync_copy(acc_s.at[pl.ds(s * _ZCHUNK, _ZCHUNK)],
                    zbuf_v.at[pl.ds(0, _ZCHUNK)])
    pltpu.sync_copy(zbuf_v.at[pl.ds(0, _ZCHUNK)],
                    out_hbm.at[pl.ds(c * 2 * _HW + s * _ZCHUNK, _ZCHUNK)])


@functools.lru_cache(maxsize=None)
def _get_scatter_kernel():
    return pl.kernel(
        _scatter_body,
        out_type=jax.ShapeDtypeStruct((_B * _HW,), jnp.float32),
        mesh=plsc.VectorSubcoreMesh(core_axis_name="c", subcore_axis_name="s"),
        scratch_types=[
            pltpu.VMEM((_ROWS, 128), jnp.int32),
            pltpu.VMEM((_ROWS, 128), jnp.float32),
            pltpu.VMEM((_ZBUF,), jnp.float32),
            pltpu.VMEM_SHARED((2 * _HW,), jnp.float32),
        ],
        compiler_params=pltpu.CompilerParams(needs_layout_passes=False),
    )


def _leaky(x):
    return jnp.where(x >= 0, x, 0.1 * x)


def _sortnet10(vs):
    vs = list(vs)
    for r in range(10):
        for i in range(r % 2, 9, 2):
            lo = jnp.minimum(vs[i], vs[i + 1])
            hi = jnp.maximum(vs[i], vs[i + 1])
            vs[i], vs[i + 1] = lo, hi
    return vs


def _median10(vs):
    sv = _sortnet10(vs)
    return 0.5 * (sv[4] + sv[5])


def _band(n):
    r = lax.broadcasted_iota(jnp.int32, (n, n), 0)
    c = lax.broadcasted_iota(jnp.int32, (n, n), 1)
    return jnp.where(jnp.abs(r - c) <= 2, 1.0, 0.0).astype(jnp.float32)


def _profile(hist, dim, nb):
    a = hist[:, :dim]
    mu = jnp.sum(a) / float(nb)
    var = jnp.sum((a - mu) ** 2) / float(nb - 1)
    sd = jnp.sqrt(var)
    a = jnp.clip(a, 0.0, mu + 3.0 * sd)
    ab = a.astype(jnp.bfloat16)
    k = jnp.asarray(0.04, jnp.bfloat16).astype(jnp.float32)
    row = jnp.dot(ab, _band(dim).astype(jnp.bfloat16),
                  preferred_element_type=jnp.float32)
    zpad = jnp.zeros((2, dim), jnp.float32)
    rp = jnp.concatenate([zpad, row, zpad], axis=0)
    blur = k * (rp[0:_S] + rp[1:_S + 1] + rp[2:_S + 2]
                + rp[3:_S + 3] + rp[4:_S + 4])
    pos = lax.broadcasted_iota(jnp.int32, (_S, dim), 1).astype(jnp.float32)
    m = jnp.sum(blur * pos, axis=1, keepdims=True) / float(_SEGLEN)
    start = m[_SIDX:_SIDX + 1, :]
    aligned = (m - start) - (float(dim // 2) - start)
    return m, jnp.round(aligned).astype(jnp.int32)


def _outlier0(windows):
    med = _median10(windows)
    diffs = [jnp.abs(w - med) for w in windows]
    mad = _median10(diffs)
    safe = jnp.where(mad == 0.0, 1.0, mad)
    flagged = jnp.where((0.6745 * diffs[0] / safe) > 2.0, 1.0, 0.0)
    return jnp.where(mad == 0.0, 0.0, flagged)


def _stats_body(hx_ref, hy_ref, cols_ref):
    mx, ax = _profile(hx_ref[0], _W, _S * _W)
    my, ay = _profile(hy_ref[0], _H, _S * _H)

    wx = [mx[_SIDX + o:_EIDX + o, :] for o in range(10)]
    wy = [my[_SIDX + o:_EIDX + o, :] for o in range(10)]
    maskc = (1.0 - _outlier0(wx)) * (1.0 - _outlier0(wy))

    cols = jnp.concatenate(
        [maskc, ax[_SIDX:_EIDX, :].astype(jnp.float32),
         ay[_SIDX:_EIDX, :].astype(jnp.float32)], axis=1)
    cols_ref[...] = cols.reshape(1, _NSEG, 3)


def _stats_call(hx, hy):
    hist_spec = pl.BlockSpec((1, _S, _PAD), lambda b: (b, 0, 0))
    return pl.pallas_call(
        _stats_body,
        grid=(_B,),
        in_specs=[hist_spec, hist_spec],
        out_specs=pl.BlockSpec((1, _NSEG, 3), lambda b: (b, 0, 0)),
        out_shape=jax.ShapeDtypeStruct((_B, _NSEG, 3), jnp.float32),
    )(hx, hy)


def _ev_body(t_ref, x_ref, y_ref, tl_ref, cols_ref, w1_ref, b1_ref,
             w2_ref, b2_ref, w3_ref, b3_ref, idx_ref, vals_ref):
    th = t_ref[0] / tl_ref[0]
    c = pl.program_id(1)
    s3 = lax.broadcasted_iota(jnp.int32, (_CSEG, 1, 1), 0) \
        + c * _CSEG + _SIDX
    segoff = (s3.astype(jnp.float32) / float(_EIDX - 1))
    tin = th - jnp.broadcast_to(segoff, (_CSEG, _SEGLEN, 1)).reshape(_CH, 1)

    h1 = _leaky(tin * w1_ref[...] + b1_ref[...])
    h2 = _leaky(jnp.dot(h1.astype(jnp.bfloat16), w2_ref[...].astype(jnp.bfloat16),
                        preferred_element_type=jnp.float32)
                + b2_ref[...])
    v = jnp.dot(h2.astype(jnp.bfloat16), w3_ref[...].astype(jnp.bfloat16),
                preferred_element_type=jnp.float32) + b3_ref[...]

    cols = cols_ref[0, 0]
    mrep = jnp.broadcast_to(cols[:, 0:1].reshape(_CSEG, 1, 1),
                            (_CSEG, _SEGLEN, 1)).reshape(_CH, 1)
    vals_ref[...] = (th * v * mrep).reshape(1, _CH, 1)

    def rep(col):
        c3 = col.reshape(_CSEG, 1, 1).astype(jnp.int32)
        return jnp.broadcast_to(c3, (_CSEG, 8, 128)).reshape(_CSEG * 8, 128)

    xi = jnp.clip(x_ref[0].astype(jnp.int32) - rep(cols[:, 1:2]), 0, _W - 1)
    yi = jnp.clip(y_ref[0].astype(jnp.int32) - rep(cols[:, 2:3]), 0, _H - 1)
    slot = lax.rem(pl.program_id(0), 2)
    idx_ref[...] = (xi + _W * yi + slot * _HW).reshape(1, _CSEG * 8, 128)


def _dense_call(hx, hy, t, x, y, w1, b1, w2, b2, w3, b3):
    cols = _stats_call(hx, hy)
    seg_slice = lambda a: a[:, _SIDX * _SEGLEN:_EIDX * _SEGLEN]
    rows = _NSEG * 8
    crows = _CSEG * 8
    nch = _NSEG // _CSEG

    full = lambda shape: pl.BlockSpec(shape, lambda b, c: (0,) * len(shape))
    idx, vals = pl.pallas_call(
        _ev_body,
        grid=(_B, nch),
        in_specs=[
            pl.BlockSpec((1, _CH, 1), lambda b, c: (b, c, 0)),
            pl.BlockSpec((1, crows, 128), lambda b, c: (b, c, 0)),
            pl.BlockSpec((1, crows, 128), lambda b, c: (b, c, 0)),
            pl.BlockSpec((1, 1, 1), lambda b, c: (b, 0, 0)),
            pl.BlockSpec((1, 1, _CSEG, 3), lambda b, c: (b, c, 0, 0)),
            full((1, 30)), full((1, 30)), full((30, 30)),
            full((1, 30)), full((30, 1)), full((1, 1)),
        ],
        out_specs=[
            pl.BlockSpec((1, crows, 128), lambda b, c: (b, c, 0)),
            pl.BlockSpec((1, _CH, 1), lambda b, c: (b, c, 0)),
        ],
        out_shape=[
            jax.ShapeDtypeStruct((_B, rows, 128), jnp.int32),
            jax.ShapeDtypeStruct((_B, _EV, 1), jnp.float32),
        ],
    )(seg_slice(t).reshape(_B, _EV, 1),
      seg_slice(x).reshape(_B, rows, 128), seg_slice(y).reshape(_B, rows, 128),
      t[:, _N - 1:].reshape(_B, 1, 1),
      cols.reshape(_B, nch, _CSEG, 3), w1, b1, w2, b2, w3, b3)
    return idx, vals


def kernel(events, w1, b1, w2, b2, w3, b3):
    x = events[..., 0]
    y = events[..., 1]
    t = events[..., 2]

    def _group(coord):
        g = coord.astype(jnp.int32).reshape(_B * _S // 16, 16, _SEGLEN)
        return g.transpose(0, 2, 1).reshape(_B * _S // 16, 16 * _SEGLEN)

    coords = jnp.concatenate([_group(x), _group(y)], axis=0)
    hists = _get_hist_kernel()(coords)
    hists = hists.reshape(2, _B, _S, _PAD)

    idx, vals = _dense_call(hists[0], hists[1], t, x, y,
                            w1, b1.reshape(1, 30), w2, b2.reshape(1, 30),
                            w3, b3.reshape(1, 1))

    idx4 = idx.reshape(_B, 8, _ROWS, 128)
    vals4 = vals.reshape(_B, 8, _ROWS, 128)
    out = _get_scatter_kernel()(idx4, vals4)
    return out.reshape(_B, _H, _W)

# --- scband reference (transcript-rebuilt; emitter-appended) ---
"""Pipeline reference for scband-quantization-layer-7284264534215 (READ-ONLY COPY).

The authoritative reference and input builder live on the scoring server;
editing this copy changes nothing except your own understanding.
"""

import jax, jax.numpy as jnp
import numpy as np

B, N = 4, 49152
H, W = 180, 240
S = 48
sIdx = 3
endBias = 10
eIdx = S - endBias
segmentLen = N // S
usable = segmentLen * S


def setup_inputs(seed: int = 0):
    key = jax.random.key(seed)
    ks = jax.random.split(key, 8)
    x = jax.random.randint(ks[0], (B, N), 0, W).astype(jnp.float32)
    y = jax.random.randint(ks[1], (B, N), 0, H).astype(jnp.float32)
    t = jnp.sort(jax.random.uniform(ks[2], (B, N), dtype=jnp.float32), axis=-1)
    p = (jax.random.randint(ks[3], (B, N), 0, 2) * 2 - 1).astype(jnp.float32)
    bch = jnp.broadcast_to(jnp.arange(B, dtype=jnp.float32)[:, None], (B, N))
    events = jnp.stack([x, y, t, p, bch], axis=-1)
    w1 = jax.random.normal(ks[4], (1, 30), dtype=jnp.float32) * 0.5
    b1 = jnp.zeros((30,), jnp.float32)
    w2 = jax.random.normal(ks[5], (30, 30), dtype=jnp.float32) * 0.18
    b2 = jnp.zeros((30,), jnp.float32)
    w3 = jax.random.normal(ks[6], (30, 1), dtype=jnp.float32) * 0.18
    b3 = jnp.zeros((1,), jnp.float32)
    return {"events": events, "w1": w1, "b1": b1, "w2": w2, "b2": b2, "w3": w3, "b3": b3}


def leaky_relu(x):
    return jnp.where(x >= 0, x, 0.1 * x)


def value_layer(ts, w1, b1, w2, b2, w3, b3):
    h = ts[:, None]
    h = leaky_relu(h @ w1 + b1)
    h = leaky_relu(h @ w2 + b2)
    h = h @ w3 + b3
    return h[:, 0]


def blur_conv(a):
    # torch F.conv2d(input=(1,B,S,D), weight=(B,1,5,5) all 0.04, padding=2, groups=B)
    k = jnp.full((1, 1, 5, 5), 0.04, dtype=jnp.float32)
    out = jax.lax.conv_general_dilated(
        a[:, None, :, :], k, window_strides=(1, 1),
        padding=((2, 2), (2, 2)),
        dimension_numbers=("NCHW", "OIHW", "NCHW"))
    return out[:, 0]


def axis_profile(coord, dim):
    # histogram of event coords per (batch, segment) via scatter-add (put_ with accumulate=True)
    chunks = jnp.repeat(jnp.arange(S, dtype=jnp.int32), segmentLen)
    idx = coord[:, :usable].astype(jnp.int32) + dim * chunks[None, :]
    along = jax.vmap(lambda i: jnp.zeros((S * dim,), jnp.float32).at[i].add(1.0))(idx)
    mean = along.mean(axis=-1, keepdims=True)
    std = jnp.std(along, axis=-1, ddof=1, keepdims=True)
    along = jnp.clip(along, 0.0, mean + 3.0 * std)
    along = blur_conv(along.reshape(B, S, dim))
    pos = jnp.arange(dim, dtype=jnp.float32)
    m = (along * pos[None, None, :]).sum(-1) / float(segmentLen)
    start = m[:, sIdx:sIdx + 1]
    aligned = jnp.round(m - start - (dim // 2 - start)).astype(jnp.int32)
    return m, aligned


def outlier1d(points, thresh=2.0):
    points = points.astype(jnp.float32)
    med = jnp.median(points)
    diff = jnp.abs(points - med)
    mad = jnp.median(diff)
    safe_mad = jnp.where(mad == 0, 1.0, mad)
    flagged = 0.6745 * diff / safe_mad > thresh
    return jnp.where(mad == 0, jnp.zeros(points.shape[0], dtype=bool), flagged)


def compute_masks(meanX, meanY):
    masks = jnp.zeros((B, S), dtype=bool)
    for bi in range(B):
        for si in range(sIdx, eIdx):
            ox = outlier1d(meanX[bi, si:si + 10], 2.0)[0]
            oy = outlier1d(meanY[bi, si:si + 10], 2.0)[0]
            masks = masks.at[bi, si].set(~(ox | oy))
    return masks


def forward(events, params, masks):
    _, alignedX = axis_profile(events[..., 0], W)
    _, alignedY = axis_profile(events[..., 1], H)
    containers = []
    for bi in range(B):
        x = events[bi, :usable, 0].astype(jnp.int32) - jnp.repeat(alignedX[bi], segmentLen)
        x = jnp.clip(x, 0, W - 1)
        y = events[bi, :usable, 1].astype(jnp.int32) - jnp.repeat(alignedY[bi], segmentLen)
        y = jnp.clip(y, 0, H - 1)
        idx = x + W * y
        t = events[bi, :usable, 2]
        t = t / t.max()
        container = jnp.zeros((W * H,), jnp.float32)
        for si in range(sIdx, eIdx):
            tseg = t[si * segmentLen:(si + 1) * segmentLen]
            iseg = idx[si * segmentLen:(si + 1) * segmentLen]
            vals = tseg * value_layer(tseg - si / (eIdx - 1), *params)
            vals = jnp.where(masks[bi, si], vals, 0.0)
            container = container.at[iseg].add(vals)
        containers.append(container)
    return jnp.stack(containers).reshape(B, H, W)


def reference(events, w1, b1, w2, b2, w3, b3):
    meanX, _ = axis_profile(events[..., 0], W)
    meanY, _ = axis_profile(events[..., 1], H)
    masks = compute_masks(meanX, meanY)
    return forward(events, (w1, b1, w2, b2, w3, b3), masks)

if __name__ == "__main__":
    import jax
    _d = setup_inputs()
    print(jax.jit(kernel)(*tuple(_d.values())))

</pallas_src>

<mosaic_0001>
#map = affine_map<(d0, d1) -> (0, 0)>
module attributes {stable_mosaic.version = 14 : i64} {
  func.func @_hist_body(%arg0: i32, %arg1: i32, %arg2: memref<24x16384xi32, #tpu.memory_space<hbm>>, %arg3: memref<24x4096xf32, #tpu.memory_space<hbm>>, %arg4: memref<16384xi32, #tpu.memory_space<vmem>>, %arg5: memref<4096xf32, #tpu.memory_space<vmem>>) attributes {dimension_semantics = [#tpu.dimension_semantics<core_parallel>, #tpu.dimension_semantics<subcore_parallel>], iteration_bounds = array<i64: 2, 16>, scalar_prefetch = 0 : i64, scratch_operands = 2 : i64, tpu.core_type = #tpu.core_type<sc_vector_subcore>, window_params = [{transform_indices = #map}, {transform_indices = #map}]} {
    %mul3A = arith.constant 16 : i32
    %mul3A_0 = arith.muli %arg0, %mul3A : i32
    %add3A = arith.addi %mul3A_0, %arg1 : i32
    %lt3A = arith.constant 24 : i32
    %lt3A_1 = arith.cmpi slt, %add3A, %lt3A : i32
    %convert_element_type3A = arith.extui %lt3A_1 : i1 to i32
    %cond3A = arith.constant 0 : i32
    %cond3A_2 = arith.cmpi ne, %convert_element_type3A, %cond3A : i32
    scf.if %cond3A_2 {
      "tpu.region"() ({
        %run_scoped3A = tpu.sem_alloc : memref<!tpu.dma_semaphore, #tpu.memory_space<semaphore_mem>>
        %dma_start3A = arith.constant 0 : i32
        %dma_start3A_20 = tpu.memref_slice %arg2[%add3A, %dma_start3A] : memref<24x16384xi32, #tpu.memory_space<hbm>> -> memref<1x16384xi32, #tpu.memory_space<hbm>>
        %dma_start3A_21 = tpu.memref_squeeze %dma_start3A_20 : memref<1x16384xi32, #tpu.memory_space<hbm>> -> memref<16384xi32, #tpu.memory_space<hbm>>
        %dma_start3A_22 = arith.constant 0 : i32
        %dma_start3A_23 = tpu.memref_slice %arg2[%add3A, %dma_start3A_22] : memref<24x16384xi32, #tpu.memory_space<hbm>> -> memref<1x16384xi32, #tpu.memory_space<hbm>>
        %dma_start3A_24 = tpu.memref_squeeze %dma_start3A_23 : memref<1x16384xi32, #tpu.memory_space<hbm>> -> memref<16384xi32, #tpu.memory_space<hbm>>
        tpu.enqueue_dma source(%dma_start3A_24 : memref<16384xi32, #tpu.memory_space<hbm>>) target(%arg4 : memref<16384xi32, #tpu.memory_space<vmem>>) target_semaphore(%run_scoped3A : memref<!tpu.dma_semaphore, #tpu.memory_space<semaphore_mem>>)
        %dma_wait3A = arith.constant 0 : i32
        %dma_wait3A_25 = tpu.memref_slice %arg2[%add3A, %dma_wait3A] : memref<24x16384xi32, #tpu.memory_space<hbm>> -> memref<1x16384xi32, #tpu.memory_space<hbm>>
        %dma_wait3A_26 = tpu.memref_squeeze %dma_wait3A_25 : memref<1x16384xi32, #tpu.memory_space<hbm>> -> memref<16384xi32, #tpu.memory_space<hbm>>
        %dma_wait3A_27 = arith.constant 0 : i32
        %dma_wait3A_28 = tpu.memref_slice %arg2[%add3A, %dma_wait3A_27] : memref<24x16384xi32, #tpu.memory_space<hbm>> -> memref<1x16384xi32, #tpu.memory_space<hbm>>
        %dma_wait3A_29 = tpu.memref_squeeze %dma_wait3A_28 : memref<1x16384xi32, #tpu.memory_space<hbm>> -> memref<16384xi32, #tpu.memory_space<hbm>>
        tpu.wait_dma2 semaphore(%run_scoped3A : memref<!tpu.dma_semaphore, #tpu.memory_space<semaphore_mem>>) src(%dma_wait3A_29 : memref<16384xi32, #tpu.memory_space<hbm>>) dst(%arg4 : memref<16384xi32, #tpu.memory_space<vmem>>)
        tpu.yield
      }) : () -> ()
      %broadcast_in_dim3A = arith.constant 0.000000e+00 : f32
      %broadcast_in_dim3A_3 = vector.broadcast %broadcast_in_dim3A : f32 to vector<16xf32>
      %scan3A = arith.constant 0 : i32
      %scan3A_4 = arith.constant 0 : i32
      %scan3A_5 = arith.constant 256 : i32
      %scan3A_6 = arith.addi %scan3A_4, %scan3A_5 : i32
      %scan3A_7 = arith.constant 1 : i32
      scf.for %scan3A_20 = %scan3A_4 to %scan3A_6 step %scan3A_7  : i32 {
        %mul3A_21 = arith.constant 16 : i32
        %mul3A_22 = arith.muli %scan3A_20, %mul3A_21 : i32
        %swap3A = arith.index_cast %mul3A_22 : i32 to index
        %swap3A_23 = tpu.vector_load %arg5[%swap3A] {strides = array<i32>} : memref<4096xf32, #tpu.memory_space<vmem>>, vector<16xf32>,
        tpu.vector_store %arg5[%swap3A], %broadcast_in_dim3A_3 {strides = array<i32>} : memref<4096xf32, #tpu.memory_space<vmem>>, vector<16xf32>,
      }
      %scan3A_8 = arith.constant 256 : i32
      %iota3A = tpu.iota {dimensions = array<i32: 0>} : vector<16xi32>
      %mul3A_9 = arith.constant 256 : i32
      %mul3A_10 = vector.broadcast %mul3A_9 : i32 to vector<16xi32>
      %mul3A_11 = arith.muli %iota3A, %mul3A_10 : vector<16xi32>
      %broadcast_in_dim3A_12 = arith.constant 1.000000e+00 : f32
      %broadcast_in_dim3A_13 = vector.broadcast %broadcast_in_dim3A_12 : f32 to vector<16xf32>
      %scan3A_14 = arith.constant 0 : i32
      %scan3A_15 = arith.constant 0 : i32
      %scan3A_16 = arith.constant 1024 : i32
      %scan3A_17 = arith.addi %scan3A_15, %scan3A_16 : i32
      %scan3A_18 = arith.constant 1 : i32
      scf.for %scan3A_20 = %scan3A_15 to %scan3A_17 step %scan3A_18  : i32 {
        %mul3A_21 = arith.constant 16 : i32
        %mul3A_22 = arith.muli %scan3A_20, %mul3A_21 : i32
        %get3A = arith.index_cast %mul3A_22 : i32 to index
        %get3A_23 = tpu.vector_load %arg4[%get3A] {strides = array<i32>} : memref<16384xi32, #tpu.memory_space<vmem>>, vector<16xi32>,
        %add3A_24 = arith.addi %get3A_23, %mul3A_11 : vector<16xi32>
        tpu.vector_store_idx %arg5[%add3A_24], %broadcast_in_dim3A_13 {add = true} : memref<4096xf32, #tpu.memory_space<vmem>>[vector<16xi32>], vector<16xf32>,
      }
      %scan3A_19 = arith.constant 1024 : i32
      "tpu.region"() ({
        %run_scoped3A = tpu.sem_alloc : memref<!tpu.dma_semaphore, #tpu.memory_space<semaphore_mem>>
        %dma_start3A = arith.constant 0 : i32
        %dma_start3A_20 = tpu.memref_slice %arg3[%add3A, %dma_start3A] : memref<24x4096xf32, #tpu.memory_space<hbm>> -> memref<1x4096xf32, #tpu.memory_space<hbm>>
        %dma_start3A_21 = tpu.memref_squeeze %dma_start3A_20 : memref<1x4096xf32, #tpu.memory_space<hbm>> -> memref<4096xf32, #tpu.memory_space<hbm>>
        %dma_start3A_22 = arith.constant 0 : i32
        %dma_start3A_23 = tpu.memref_slice %arg3[%add3A, %dma_start3A_22] : memref<24x4096xf32, #tpu.memory_space<hbm>> -> memref<1x4096xf32, #tpu.memory_space<hbm>>
        %dma_start3A_24 = tpu.memref_squeeze %dma_start3A_23 : memref<1x4096xf32, #tpu.memory_space<hbm>> -> memref<4096xf32, #tpu.memory_space<hbm>>
        tpu.enqueue_dma source(%arg5 : memref<4096xf32, #tpu.memory_space<vmem>>) target(%dma_start3A_24 : memref<4096xf32, #tpu.memory_space<hbm>>) target_semaphore(%run_scoped3A : memref<!tpu.dma_semaphore, #tpu.memory_space<semaphore_mem>>)
        %dma_wait3A = arith.constant 0 : i32
        %dma_wait3A_25 = tpu.memref_slice %arg3[%add3A, %dma_wait3A] : memref<24x4096xf32, #tpu.memory_space<hbm>> -> memref<1x4096xf32, #tpu.memory_space<hbm>>
        %dma_wait3A_26 = tpu.memref_squeeze %dma_wait3A_25 : memref<1x4096xf32, #tpu.memory_space<hbm>> -> memref<4096xf32, #tpu.memory_space<hbm>>
        %dma_wait3A_27 = arith.constant 0 : i32
        %dma_wait3A_28 = tpu.memref_slice %arg3[%add3A, %dma_wait3A_27] : memref<24x4096xf32, #tpu.memory_space<hbm>> -> memref<1x4096xf32, #tpu.memory_space<hbm>>
        %dma_wait3A_29 = tpu.memref_squeeze %dma_wait3A_28 : memref<1x4096xf32, #tpu.memory_space<hbm>> -> memref<4096xf32, #tpu.memory_space<hbm>>
        tpu.wait_dma2 semaphore(%run_scoped3A : memref<!tpu.dma_semaphore, #tpu.memory_space<semaphore_mem>>) src(%arg5 : memref<4096xf32, #tpu.memory_space<vmem>>) dst(%dma_wait3A_29 : memref<4096xf32, #tpu.memory_space<hbm>>)
        tpu.yield
      }) : () -> ()
    } else {
    }
    return
  }
}

#map = affine_map<(d0, d1) -> (0, 0, 0, 0)>
#map1 = affine_map<(d0, d1) -> (0)>
module attributes {stable_mosaic.version = 14 : i64} {
  func.func @_scatter_body(%arg0: i32, %arg1: i32, %arg2: memref<4x8x35x128xi32, #tpu.memory_space<hbm>>, %arg3: memref<4x8x35x128xf32, #tpu.memory_space<hbm>>, %arg4: memref<172800xf32, #tpu.memory_space<hbm>>, %arg5: memref<35x128xi32, #tpu.memory_space<vmem>>, %arg6: memref<35x128xf32, #tpu.memory_space<vmem>>, %arg7: memref<5408xf32, #tpu.memory_space<vmem>>, %arg8: memref<86400xf32, #tpu.memory_space<vmem_shared>>) attributes {dimension_semantics = [#tpu.dimension_semantics<core_parallel>, #tpu.dimension_semantics<subcore_parallel>], iteration_bounds = array<i64: 2, 16>, scalar_prefetch = 0 : i64, scratch_operands = 4 : i64, tpu.core_type = #tpu.core_type<sc_vector_subcore>, window_params = [{transform_indices = #map}, {transform_indices = #map}, {transform_indices = #map1}]} {
    %broadcast_in_dim3A = arith.constant 0.000000e+00 : f32
    %broadcast_in_dim3A_0 = vector.broadcast %broadcast_in_dim3A : f32 to vector<16xf32>
    %scan3A = arith.constant 0 : i32
    %scan3A_1 = arith.constant 0 : i32
    %scan3A_2 = arith.constant 338 : i32
    %scan3A_3 = arith.addi %scan3A_1, %scan3A_2 : i32
    %scan3A_4 = arith.constant 1 : i32
    scf.for %scan3A_55 = %scan3A_1 to %scan3A_3 step %scan3A_4  : i32 {
      %mul3A_56 = arith.constant 16 : i32
      %mul3A_57 = arith.muli %scan3A_55, %mul3A_56 : i32
      %swap3A = arith.index_cast %mul3A_57 : i32 to index
      %swap3A_58 = tpu.vector_load %arg7[%swap3A] {strides = array<i32>} : memref<5408xf32, #tpu.memory_space<vmem>>, vector<16xf32>,
      tpu.vector_store %arg7[%swap3A], %broadcast_in_dim3A_0 {strides = array<i32>} : memref<5408xf32, #tpu.memory_space<vmem>>, vector<16xf32>,
    }
    %scan3A_5 = arith.constant 338 : i32
    %mul3A = arith.constant 5400 : i32
    %mul3A_6 = arith.muli %arg1, %mul3A : i32
    "tpu.region"() ({
      %run_scoped3A = tpu.sem_alloc : memref<!tpu.dma_semaphore, #tpu.memory_space<semaphore_mem>>
      %dma_start3A = arith.constant 0 : i32
      %dma_start3A_55 = tpu.memref_slice %arg7[%dma_start3A] : memref<5408xf32, #tpu.memory_space<vmem>> -> memref<5400xf32, #tpu.memory_space<vmem>>
      %dma_start3A_56 = tpu.memref_slice %arg8[%mul3A_6] : memref<86400xf32, #tpu.memory_space<vmem_shared>> -> memref<5400xf32, #tpu.memory_space<vmem_shared>>
      %dma_start3A_57 = tpu.memref_slice %arg8[%mul3A_6] : memref<86400xf32, #tpu.memory_space<vmem_shared>> -> memref<5400xf32, #tpu.memory_space<vmem_shared>>
      %dma_start3A_58 = arith.constant 0 : i32
      %dma_start3A_59 = tpu.memref_slice %arg7[%dma_start3A_58] : memref<5408xf32, #tpu.memory_space<vmem>> -> memref<5400xf32, #tpu.memory_space<vmem>>
      tpu.enqueue_dma source(%dma_start3A_59 : memref<5400xf32, #tpu.memory_space<vmem>>) target(%dma_start3A_57 : memref<5400xf32, #tpu.memory_space<vmem_shared>>) target_semaphore(%run_scoped3A : memref<!tpu.dma_semaphore, #tpu.memory_space<semaphore_mem>>)
      %dma_wait3A = arith.constant 0 : i32
      %dma_wait3A_60 = tpu.memref_slice %arg7[%dma_wait3A] : memref<5408xf32, #tpu.memory_space<vmem>> -> memref<5400xf32, #tpu.memory_space<vmem>>
      %dma_wait3A_61 = tpu.memref_slice %arg8[%mul3A_6] : memref<86400xf32, #tpu.memory_space<vmem_shared>> -> memref<5400xf32, #tpu.memory_space<vmem_shared>>
      %dma_wait3A_62 = tpu.memref_slice %arg8[%mul3A_6] : memref<86400xf32, #tpu.memory_space<vmem_shared>> -> memref<5400xf32, #tpu.memory_space<vmem_shared>>
      %dma_wait3A_63 = arith.constant 0 : i32
      %dma_wait3A_64 = tpu.memref_slice %arg7[%dma_wait3A_63] : memref<5408xf32, #tpu.memory_space<vmem>> -> memref<5400xf32, #tpu.memory_space<vmem>>
      tpu.wait_dma2 semaphore(%run_scoped3A : memref<!tpu.dma_semaphore, #tpu.memory_space<semaphore_mem>>) src(%dma_wait3A_64 : memref<5400xf32, #tpu.memory_space<vmem>>) dst(%dma_wait3A_62 : memref<5400xf32, #tpu.memory_space<vmem_shared>>)
      tpu.yield
    }) : () -> ()
    %barrier3A = arith.constant 0 : index
    tpu.barrier barrier_id(%barrier3A)
    %mul3A_7 = arith.constant 2 : i32
    %mul3A_8 = arith.muli %arg0, %mul3A_7 : i32
    %jit3A = arith.constant 8 : i32
    %div3A = arith.divsi %arg1, %jit3A : i32
    %sign3A = arith.constant 0 : i32
    %sign3A_9 = arith.cmpi sgt, %arg1, %sign3A : i32
    %sign3A_10 = arith.extui %sign3A_9 : i1 to i32
    %sign3A_11 = arith.constant 0 : i32
    %sign3A_12 = arith.cmpi slt, %arg1, %sign3A_11 : i32
    %sign3A_13 = arith.extui %sign3A_12 : i1 to i32
    %sign3A_14 = arith.subi %sign3A_10, %sign3A_13 : i32
    %sign3A_15 = arith.constant 0 : i32
    %sign3A_16 = arith.cmpi sgt, %jit3A, %sign3A_15 : i32
    %sign3A_17 = arith.extui %sign3A_16 : i1 to i32
    %sign3A_18 = arith.constant 0 : i32
    %sign3A_19 = arith.cmpi slt, %jit3A, %sign3A_18 : i32
    %sign3A_20 = arith.extui %sign3A_19 : i1 to i32
    %sign3A_21 = arith.subi %sign3A_17, %sign3A_20 : i32
    %ne3A = arith.cmpi ne, %sign3A_14, %sign3A_21 : i32
    %rem3A = arith.remsi %arg1, %jit3A : i32
    %ne3A_22 = arith.constant 0 : i32
    %ne3A_23 = arith.cmpi ne, %rem3A, %ne3A_22 : i32
    %and3A = arith.andi %ne3A, %ne3A_23 : i1
    %sub3A = arith.constant 1 : i32
    %sub3A_24 = arith.subi %div3A, %sub3A : i32
    %select_n3A = arith.select %and3A, %sub3A_24, %div3A : i32
    %add3A = arith.addi %mul3A_8, %select_n3A : i32
    %jit3A_25 = arith.constant 8 : i32
    %eq3A = arith.constant 0 : i32
    %eq3A_26 = arith.cmpi eq, %jit3A_25, %eq3A : i32
    %jit3A_27 = arith.constant 1 : i32
    %select_n3A_28 = arith.select %eq3A_26, %jit3A_27, %jit3A_25 : i32
    %rem3A_29 = arith.remsi %arg1, %select_n3A_28 : i32
    %ne3A_30 = arith.constant 0 : i32
    %ne3A_31 = arith.cmpi ne, %rem3A_29, %ne3A_30 : i32
    %lt3A = arith.constant 0 : i32
    %lt3A_32 = arith.cmpi slt, %rem3A_29, %lt3A : i32
    %lt3A_33 = arith.constant 0 : i32
    %lt3A_34 = arith.cmpi slt, %select_n3A_28, %lt3A_33 : i32
    %ne3A_35 = arith.xori %lt3A_32, %lt3A_34 : i1
    %and3A_36 = arith.andi %ne3A_35, %ne3A_31 : i1
    %add3A_37 = arith.addi %rem3A_29, %select_n3A_28 : i32
    %select_n3A_38 = arith.select %and3A_36, %add3A_37, %rem3A_29 : i32
    "tpu.region"() ({
      %run_scoped3A = tpu.sem_alloc : memref<!tpu.dma_semaphore, #tpu.memory_space<semaphore_mem>>
      %dma_start3A = arith.constant 0 : i32
      %dma_start3A_55 = arith.constant 0 : i32
      %dma_start3A_56 = tpu.memref_slice %arg2[%add3A, %select_n3A_38, %dma_start3A, %dma_start3A_55] : memref<4x8x35x128xi32, #tpu.memory_space<hbm>> -> memref<1x1x35x128xi32, #tpu.memory_space<hbm>>
      %dma_start3A_57 = tpu.memref_squeeze %dma_start3A_56 : memref<1x1x35x128xi32, #tpu.memory_space<hbm>> -> memref<35x128xi32, #tpu.memory_space<hbm>>
      %dma_start3A_58 = arith.constant 0 : i32
      %dma_start3A_59 = arith.constant 0 : i32
      %dma_start3A_60 = tpu.memref_slice %arg2[%add3A, %select_n3A_38, %dma_start3A_58, %dma_start3A_59] : memref<4x8x35x128xi32, #tpu.memory_space<hbm>> -> memref<1x1x35x128xi32, #tpu.memory_space<hbm>>
      %dma_start3A_61 = tpu.memref_squeeze %dma_start3A_60 : memref<1x1x35x128xi32, #tpu.memory_space<hbm>> -> memref<35x128xi32, #tpu.memory_space<hbm>>
      tpu.enqueue_dma source(%dma_start3A_61 : memref<35x128xi32, #tpu.memory_space<hbm>>) target(%arg5 : memref<35x128xi32, #tpu.memory_space<vmem>>) target_semaphore(%run_scoped3A : memref<!tpu.dma_semaphore, #tpu.memory_space<semaphore_mem>>)
      %dma_wait3A = arith.constant 0 : i32
      %dma_wait3A_62 = arith.constant 0 : i32
      %dma_wait3A_63 = tpu.memref_slice %arg2[%add3A, %select_n3A_38, %dma_wait3A, %dma_wait3A_62] : memref<4x8x35x128xi32, #tpu.memory_space<hbm>> -> memref<1x1x35x128xi32, #tpu.memory_space<hbm>>
      %dma_wait3A_64 = tpu.memref_squeeze %dma_wait3A_63 : memref<1x1x35x128xi32, #tpu.memory_space<hbm>> -> memref<35x128xi32, #tpu.memory_space<hbm>>
      %dma_wait3A_65 = arith.constant 0 : i32
      %dma_wait3A_66 = arith.constant 0 : i32
      %dma_wait3A_67 = tpu.memref_slice %arg2[%add3A, %select_n3A_38, %dma_wait3A_65, %dma_wait3A_66] : memref<4x8x35x128xi32, #tpu.memory_space<hbm>> -> memref<1x1x35x128xi32, #tpu.memory_space<hbm>>
      %dma_wait3A_68 = tpu.memref_squeeze %dma_wait3A_67 : memref<1x1x35x128xi32, #tpu.memory_space<hbm>> -> memref<35x128xi32, #tpu.memory_space<hbm>>
      tpu.wait_dma2 semaphore(%run_scoped3A : memref<!tpu.dma_semaphore, #tpu.memory_space<semaphore_mem>>) src(%dma_wait3A_68 : memref<35x128xi32, #tpu.memory_space<hbm>>) dst(%arg5 : memref<35x128xi32, #tpu.memory_space<vmem>>)
      tpu.yield
    }) : () -> ()
    "tpu.region"() ({
      %run_scoped3A = tpu.sem_alloc : memref<!tpu.dma_semaphore, #tpu.memory_space<semaphore_mem>>
      %dma_start3A = arith.constant 0 : i32
      %dma_start3A_55 = arith.constant 0 : i32
      %dma_start3A_56 = tpu.memref_slice %arg3[%add3A, %select_n3A_38, %dma_start3A, %dma_start3A_55] : memref<4x8x35x128xf32, #tpu.memory_space<hbm>> -> memref<1x1x35x128xf32, #tpu.memory_space<hbm>>
      %dma_start3A_57 = tpu.memref_squeeze %dma_start3A_56 : memref<1x1x35x128xf32, #tpu.memory_space<hbm>> -> memref<35x128xf32, #tpu.memory_space<hbm>>
      %dma_start3A_58 = arith.constant 0 : i32
      %dma_start3A_59 = arith.constant 0 : i32
      %dma_start3A_60 = tpu.memref_slice %arg3[%add3A, %select_n3A_38, %dma_start3A_58, %dma_start3A_59] : memref<4x8x35x128xf32, #tpu.memory_space<hbm>> -> memref<1x1x35x128xf32, #tpu.memory_space<hbm>>
      %dma_start3A_61 = tpu.memref_squeeze %dma_start3A_60 : memref<1x1x35x128xf32, #tpu.memory_space<hbm>> -> memref<35x128xf32, #tpu.memory_space<hbm>>
      tpu.enqueue_dma source(%dma_start3A_61 : memref<35x128xf32, #tpu.memory_space<hbm>>) target(%arg6 : memref<35x128xf32, #tpu.memory_space<vmem>>) target_semaphore(%run_scoped3A : memref<!tpu.dma_semaphore, #tpu.memory_space<semaphore_mem>>)
      %dma_wait3A = arith.constant 0 : i32
      %dma_wait3A_62 = arith.constant 0 : i32
      %dma_wait3A_63 = tpu.memref_slice %arg3[%add3A, %select_n3A_38, %dma_wait3A, %dma_wait3A_62] : memref<4x8x35x128xf32, #tpu.memory_space<hbm>> -> memref<1x1x35x128xf32, #tpu.memory_space<hbm>>
      %dma_wait3A_64 = tpu.memref_squeeze %dma_wait3A_63 : memref<1x1x35x128xf32, #tpu.memory_space<hbm>> -> memref<35x128xf32, #tpu.memory_space<hbm>>
      %dma_wait3A_65 = arith.constant 0 : i32
      %dma_wait3A_66 = arith.constant 0 : i32
      %dma_wait3A_67 = tpu.memref_slice %arg3[%add3A, %select_n3A_38, %dma_wait3A_65, %dma_wait3A_66] : memref<4x8x35x128xf32, #tpu.memory_space<hbm>> -> memref<1x1x35x128xf32, #tpu.memory_space<hbm>>
      %dma_wait3A_68 = tpu.memref_squeeze %dma_wait3A_67 : memref<1x1x35x128xf32, #tpu.memory_space<hbm>> -> memref<35x128xf32, #tpu.memory_space<hbm>>
      tpu.wait_dma2 semaphore(%run_scoped3A : memref<!tpu.dma_semaphore, #tpu.memory_space<semaphore_mem>>) src(%dma_wait3A_68 : memref<35x128xf32, #tpu.memory_space<hbm>>) dst(%arg6 : memref<35x128xf32, #tpu.memory_space<vmem>>)
      tpu.yield
    }) : () -> ()
    %scan3A_39 = arith.constant 0 : i32
    %scan3A_40 = arith.constant 0 : i32
    %scan3A_41 = arith.constant 35 : i32
    %scan3A_42 = arith.addi %scan3A_40, %scan3A_41 : i32
    %scan3A_43 = arith.constant 1 : i32
    scf.for %scan3A_55 = %scan3A_40 to %scan3A_42 step %scan3A_43  : i32 {
      "tpu.region"() ({
        %run_scoped3A = tpu.sem_alloc : memref<!tpu.dma_semaphore, #tpu.memory_space<semaphore_mem>>
        %dma_start3A = arith.constant 0 : i32
        %dma_start3A_56 = tpu.memref_slice %arg6[%scan3A_55, %dma_start3A] : memref<35x128xf32, #tpu.memory_space<vmem>> -> memref<1x128xf32, #tpu.memory_space<vmem>>
        %dma_start3A_57 = tpu.memref_squeeze %dma_start3A_56 : memref<1x128xf32, #tpu.memory_space<vmem>> -> memref<128xf32, #tpu.memory_space<vmem>>
        %dma_start3A_58 = arith.constant 0 : i32
        %dma_start3A_59 = tpu.memref_slice %arg5[%scan3A_55, %dma_start3A_58] : memref<35x128xi32, #tpu.memory_space<vmem>> -> memref<1x128xi32, #tpu.memory_space<vmem>>
        %dma_start3A_60 = tpu.memref_squeeze %dma_start3A_59 : memref<1x128xi32, #tpu.memory_space<vmem>> -> memref<128xi32, #tpu.memory_space<vmem>>
        %dma_start3A_61 = arith.constant 0 : i32
        %dma_start3A_62 = tpu.memref_slice %arg8[%dma_start3A_61] : memref<86400xf32, #tpu.memory_space<vmem_shared>> -> memref<86400xf32, #tpu.memory_space<vmem_shared>>
        tpu.enqueue_indirect_dma source(%dma_start3A_57 : memref<128xf32, #tpu.memory_space<vmem>>) target(%dma_start3A_62 : memref<86400xf32, #tpu.memory_space<vmem_shared>>) offsets(%dma_start3A_60 : memref<128xi32, #tpu.memory_space<vmem>>) semaphore(%run_scoped3A : memref<!tpu.dma_semaphore, #tpu.memory_space<semaphore_mem>>) {add = true}
        %dma_wait3A = arith.constant 0 : i32
        %dma_wait3A_63 = tpu.memref_slice %arg6[%scan3A_55, %dma_wait3A] : memref<35x128xf32, #tpu.memory_space<vmem>> -> memref<1x128xf32, #tpu.memory_space<vmem>>
        %dma_wait3A_64 = tpu.memref_squeeze %dma_wait3A_63 : memref<1x128xf32, #tpu.memory_space<vmem>> -> memref<128xf32, #tpu.memory_space<vmem>>
        %dma_wait3A_65 = arith.constant 0 : i32
        %dma_wait3A_66 = tpu.memref_slice %arg5[%scan3A_55, %dma_wait3A_65] : memref<35x128xi32, #tpu.memory_space<vmem>> -> memref<1x128xi32, #tpu.memory_space<vmem>>
        %dma_wait3A_67 = tpu.memref_squeeze %dma_wait3A_66 : memref<1x128xi32, #tpu.memory_space<vmem>> -> memref<128xi32, #tpu.memory_space<vmem>>
        %dma_wait3A_68 = arith.constant 0 : i32
        %dma_wait3A_69 = tpu.memref_slice %arg8[%dma_wait3A_68] : memref<86400xf32, #tpu.memory_space<vmem_shared>> -> memref<86400xf32, #tpu.memory_space<vmem_shared>>
        tpu.wait_indirect_dma semaphore(%run_scoped3A : memref<!tpu.dma_semaphore, #tpu.memory_space<semaphore_mem>>) src(%dma_wait3A_64 : memref<128xf32, #tpu.memory_space<vmem>>) dst(%dma_wait3A_69 : memref<86400xf32, #tpu.memory_space<vmem_shared>>)
        tpu.yield
      }) : () -> ()
    }
    %scan3A_44 = arith.constant 35 : i32
    %barrier3A_45 = arith.constant 0 : index
    tpu.barrier barrier_id(%barrier3A_45)
    %mul3A_46 = arith.constant 5400 : i32
    %mul3A_47 = arith.muli %arg1, %mul3A_46 : i32
    "tpu.region"() ({
      %run_scoped3A = tpu.sem_alloc : memref<!tpu.dma_semaphore, #tpu.memory_space<semaphore_mem>>
      %dma_start3A = arith.constant 0 : i32
      %dma_start3A_55 = tpu.memref_slice %arg7[%dma_start3A] : memref<5408xf32, #tpu.memory_space<vmem>> -> memref<5400xf32, #tpu.memory_space<vmem>>
      %dma_start3A_56 = tpu.memref_slice %arg8[%mul3A_47] : memref<86400xf32, #tpu.memory_space<vmem_shared>> -> memref<5400xf32, #tpu.memory_space<vmem_shared>>
      %dma_start3A_57 = arith.constant 0 : i32
      %dma_start3A_58 = tpu.memref_slice %arg7[%dma_start3A_57] : memref<5408xf32, #tpu.memory_space<vmem>> -> memref<5400xf32, #tpu.memory_space<vmem>>
      %dma_start3A_59 = tpu.memref_slice %arg8[%mul3A_47] : memref<86400xf32, #tpu.memory_space<vmem_shared>> -> memref<5400xf32, #tpu.memory_space<vmem_shared>>
      tpu.enqueue_dma source(%dma_start3A_59 : memref<5400xf32, #tpu.memory_space<vmem_shared>>) target(%dma_start3A_58 : memref<5400xf32, #tpu.memory_space<vmem>>) target_semaphore(%run_scoped3A : memref<!tpu.dma_semaphore, #tpu.memory_space<semaphore_mem>>)
      %dma_wait3A = arith.constant 0 : i32
      %dma_wait3A_60 = tpu.memref_slice %arg7[%dma_wait3A] : memref<5408xf32, #tpu.memory_space<vmem>> -> memref<5400xf32, #tpu.memory_space<vmem>>
      %dma_wait3A_61 = tpu.memref_slice %arg8[%mul3A_47] : memref<86400xf32, #tpu.memory_space<vmem_shared>> -> memref<5400xf32, #tpu.memory_space<vmem_shared>>
      %dma_wait3A_62 = arith.constant 0 : i32
      %dma_wait3A_63 = tpu.memref_slice %arg7[%dma_wait3A_62] : memref<5408xf32, #tpu.memory_space<vmem>> -> memref<5400xf32, #tpu.memory_space<vmem>>
      %dma_wait3A_64 = tpu.memref_slice %arg8[%mul3A_47] : memref<86400xf32, #tpu.memory_space<vmem_shared>> -> memref<5400xf32, #tpu.memory_space<vmem_shared>>
      tpu.wait_dma2 semaphore(%run_scoped3A : memref<!tpu.dma_semaphore, #tpu.memory_space<semaphore_mem>>) src(%dma_wait3A_64 : memref<5400xf32, #tpu.memory_space<vmem_shared>>) dst(%dma_wait3A_63 : memref<5400xf32, #tpu.memory_space<vmem>>)
      tpu.yield
    }) : () -> ()
    %mul3A_48 = arith.constant 2 : i32
    %mul3A_49 = arith.muli %arg0, %mul3A_48 : i32
    %mul3A_50 = arith.constant 43200 : i32
    %mul3A_51 = arith.muli %mul3A_49, %mul3A_50 : i32
    %mul3A_52 = arith.constant 5400 : i32
    %mul3A_53 = arith.muli %arg1, %mul3A_52 : i32
    %add3A_54 = arith.addi %mul3A_51, %mul3A_53 : i32
    "tpu.region"() ({
      %run_scoped3A = tpu.sem_alloc : memref<!tpu.dma_semaphore, #tpu.memory_space<semaphore_mem>>
      %dma_start3A = arith.constant 0 : i32
      %dma_start3A_55 = tpu.memref_slice %arg7[%dma_start3A] : memref<5408xf32, #tpu.memory_space<vmem>> -> memref<5400xf32, #tpu.memory_space<vmem>>
      %dma_start3A_56 = tpu.memref_slice %arg4[%add3A_54] : memref<172800xf32, #tpu.memory_space<hbm>> -> memref<5400xf32, #tpu.memory_space<hbm>>
      %dma_start3A_57 = tpu.memref_slice %arg4[%add3A_54] : memref<172800xf32, #tpu.memory_space<hbm>> -> memref<5400xf32, #tpu.memory_space<hbm>>
      %dma_start3A_58 = arith.constant 0 : i32
      %dma_start3A_59 = tpu.memref_slice %arg7[%dma_start3A_58] : memref<5408xf32, #tpu.memory_space<vmem>> -> memref<5400xf32, #tpu.memory_space<vmem>>
      tpu.enqueue_dma source(%dma_start3A_59 : memref<5400xf32, #tpu.memory_space<vmem>>) target(%dma_start3A_57 : memref<5400xf32, #tpu.memory_space<hbm>>) target_semaphore(%run_scoped3A : memref<!tpu.dma_semaphore, #tpu.memory_space<semaphore_mem>>)
      %dma_wait3A = arith.constant 0 : i32
      %dma_wait3A_60 = tpu.memref_slice %arg7[%dma_wait3A] : memref<5408xf32, #tpu.memory_space<vmem>> -> memref<5400xf32, #tpu.memory_space<vmem>>
      %dma_wait3A_61 = tpu.memref_slice %arg4[%add3A_54] : memref<172800xf32, #tpu.memory_space<hbm>> -> memref<5400xf32, #tpu.memory_space<hbm>>
      %dma_wait3A_62 = tpu.memref_slice %arg4[%add3A_54] : memref<172800xf32, #tpu.memory_space<hbm>> -> memref<5400xf32, #tpu.memory_space<hbm>>
      %dma_wait3A_63 = arith.constant 0 : i32
      %dma_wait3A_64 = tpu.memref_slice %arg7[%dma_wait3A_63] : memref<5408xf32, #tpu.memory_space<vmem>> -> memref<5400xf32, #tpu.memory_space<vmem>>
      tpu.wait_dma2 semaphore(%run_scoped3A : memref<!tpu.dma_semaphore, #tpu.memory_space<semaphore_mem>>) src(%dma_wait3A_64 : memref<5400xf32, #tpu.memory_space<vmem>>) dst(%dma_wait3A_62 : memref<5400xf32, #tpu.memory_space<hbm>>)
      tpu.yield
    }) : () -> ()
    return
  }
}

module attributes {stable_mosaic.version = 14 : i64} {
  func.func @_stats_body(%arg0: i32, %arg1: memref<1x48x256xf32, #tpu.memory_space<vmem>>, %arg2: memref<1x48x256xf32, #tpu.memory_space<vmem>>, %arg3: memref<1x35x3xf32, #tpu.memory_space<vmem>>) attributes {dimension_semantics = [#tpu.dimension_semantics<arbitrary>], iteration_bounds = array<i64: 4>, scalar_prefetch = 0 : i64, scratch_operands = 0 : i64, tpu.core_type = #tpu.core_type<tc>, window_params = [{transform_indices = @transform_0, window_bounds = array<i64: 1, 48, 256>}, {transform_indices = @transform_1, window_bounds = array<i64: 1, 48, 256>}, {transform_indices = @transform_2, window_bounds = array<i64: 1, 35, 3>}]} {
    %get3A = arith.constant 0 : index
    %get3A_0 = arith.constant 0 : index
    %get3A_1 = arith.constant 0 : index
    %get3A_2 = vector.load %arg1[%get3A, %get3A_0, %get3A_1] : memref<1x48x256xf32, #tpu.memory_space<vmem>>, vector<1x48x256xf32>
    %get3A_3 = vector.shape_cast %get3A_2 : vector<1x48x256xf32> to vector<48x256xf32>
    %slice3A = vector.extract_strided_slice %get3A_3 {offsets = [0, 0], sizes = [48, 240], strides = [1, 1]} : vector<48x256xf32> to vector<48x240xf32>
    %reduce_sum3A = vector.shape_cast %slice3A : vector<48x240xf32> to vector<1x48x240xf32>
    %reduce_sum3A_4 = arith.constant dense<0.000000e+00> : vector<1xf32>
    %reduce_sum3A_5 = vector.multi_reduction <add>, %reduce_sum3A, %reduce_sum3A_4 [1, 2] : vector<1x48x240xf32> to vector<1xf32>
    %reduce_sum3A_6 = vector.shape_cast %reduce_sum3A_5 : vector<1xf32> to vector<1x1x1xf32>
    %reduce_sum3A_7 = vector.extract %reduce_sum3A_6[0, 0, 0] : f32 from vector<1x1x1xf32>
    %div3A = arith.constant 1.152000e+04 : f32
    %div3A_8 = arith.divf %reduce_sum3A_7, %div3A : f32
    %sub3A = vector.broadcast %div3A_8 : f32 to vector<48x240xf32>
    %sub3A_9 = arith.subf %slice3A, %sub3A : vector<48x240xf32>
    %integer_pow3A = arith.mulf %sub3A_9, %sub3A_9 : vector<48x240xf32>
    %reduce_sum3A_10 = vector.shape_cast %integer_pow3A : vector<48x240xf32> to vector<1x48x240xf32>
    %reduce_sum3A_11 = arith.constant dense<0.000000e+00> : vector<1xf32>
    %reduce_sum3A_12 = vector.multi_reduction <add>, %reduce_sum3A_10, %reduce_sum3A_11 [1, 2] : vector<1x48x240xf32> to vector<1xf32>
    %reduce_sum3A_13 = vector.shape_cast %reduce_sum3A_12 : vector<1xf32> to vector<1x1x1xf32>
    %reduce_sum3A_14 = vector.extract %reduce_sum3A_13[0, 0, 0] : f32 from vector<1x1x1xf32>
    %div3A_15 = arith.constant 1.151900e+04 : f32
    %div3A_16 = arith.divf %reduce_sum3A_14, %div3A_15 : f32
    %sqrt3A = math.sqrt %div3A_16 : f32
    %mul3A = arith.constant 3.000000e+00 : f32
    %mul3A_17 = arith.mulf %mul3A, %sqrt3A : f32
    %add3A = arith.addf %div3A_8, %mul3A_17 : f32
    %jit3A = arith.constant 0.000000e+00 : f32
    %max3A = vector.broadcast %jit3A : f32 to vector<48x240xf32>
    %max3A_18 = arith.maximumf %max3A, %slice3A : vector<48x240xf32>
    %min3A = vector.broadcast %add3A : f32 to vector<48x240xf32>
    %min3A_19 = arith.minimumf %min3A, %max3A_18 : vector<48x240xf32>
    %convert_element_type3A = arith.truncf %min3A_19 : vector<48x240xf32> to vector<48x240xbf16>
    %iota3A = tpu.iota {dimensions = array<i32: 0>} : vector<240x240xi32>
    %iota3A_20 = tpu.iota {dimensions = array<i32: 1>} : vector<240x240xi32>
    %sub3A_21 = arith.subi %iota3A, %iota3A_20 : vector<240x240xi32>
    %abs3A = math.absi %sub3A_21 : vector<240x240xi32>
    %le3A = arith.constant 2 : i32
    %le3A_22 = vector.broadcast %le3A : i32 to vector<240x240xi32>
    %le3A_23 = arith.cmpi sle, %abs3A, %le3A_22 : vector<240x240xi32>
    %jit3A_24 = arith.constant 1.000000e+00 : f32
    %jit3A_25 = arith.constant 0.000000e+00 : f32
    %broadcast_in_dim3A = vector.broadcast %jit3A_24 : f32 to vector<240x240xf32>
    %broadcast_in_dim3A_26 = vector.broadcast %jit3A_25 : f32 to vector<240x240xf32>
    %select_n3A = arith.select %le3A_23, %broadcast_in_dim3A, %broadcast_in_dim3A_26 : vector<240x240xi1>, vector<240x240xf32>
    %convert_element_type3A_27 = arith.truncf %select_n3A : vector<240x240xf32> to vector<240x240xbf16>
    %dot_general3A = arith.constant dense<0.000000e+00> : vector<48x240xf32>
    %dot_general3A_28 = tpu.matmul %convert_element_type3A, %convert_element_type3A_27, %dot_general3A {dimension_numbers = #tpu.dot_dimension_numbers<[1], [0], [0], [1], [0, 0, 1, 1], [], []>, transpose_lhs_hint = false} : vector<48x240xbf16>, vector<240x240xbf16>, vector<48x240xf32> -> vector<48x240xf32>
    %broadcast_in_dim3A_29 = arith.constant 0.000000e+00 : f32
    %broadcast_in_dim3A_30 = vector.broadcast %broadcast_in_dim3A_29 : f32 to vector<2x240xf32>
    %concatenate3A = tpu.concatenate %broadcast_in_dim3A_30, %dot_general3A_28, %broadcast_in_dim3A_30 in 0 : vector<2x240xf32>, vector<48x240xf32>, vector<2x240xf32> -> vector<52x240xf32>
    %slice3A_31 = vector.extract_strided_slice %concatenate3A {offsets = [0, 0], sizes = [48, 240], strides = [1, 1]} : vector<52x240xf32> to vector<48x240xf32>
    %slice3A_32 = vector.extract_strided_slice %concatenate3A {offsets = [1, 0], sizes = [48, 240], strides = [1, 1]} : vector<52x240xf32> to vector<48x240xf32>
    %add3A_33 = arith.addf %slice3A_31, %slice3A_32 : vector<48x240xf32>
    %slice3A_34 = vector.extract_strided_slice %concatenate3A {offsets = [2, 0], sizes = [48, 240], strides = [1, 1]} : vector<52x240xf32> to vector<48x240xf32>
    %add3A_35 = arith.addf %add3A_33, %slice3A_34 : vector<48x240xf32>
    %slice3A_36 = vector.extract_strided_slice %concatenate3A {offsets = [3, 0], sizes = [48, 240], strides = [1, 1]} : vector<52x240xf32> to vector<48x240xf32>
    %add3A_37 = arith.addf %add3A_35, %slice3A_36 : vector<48x240xf32>
    %slice3A_38 = vector.extract_strided_slice %concatenate3A {offsets = [4, 0], sizes = [48, 240], strides = [1, 1]} : vector<52x240xf32> to vector<48x240xf32>
    %add3A_39 = arith.addf %add3A_37, %slice3A_38 : vector<48x240xf32>
    %mul3A_40 = arith.constant 0.0400390625 : f32
    %mul3A_41 = vector.broadcast %mul3A_40 : f32 to vector<48x240xf32>
    %mul3A_42 = arith.mulf %mul3A_41, %add3A_39 : vector<48x240xf32>
    %iota3A_43 = tpu.iota {dimensions = array<i32: 1>} : vector<48x240xi32>
    %convert_element_type3A_44 = arith.sitofp %iota3A_43 : vector<48x240xi32> to vector<48x240xf32>
    %mul3A_45 = arith.mulf %mul3A_42, %convert_element_type3A_44 : vector<48x240xf32>
    %reduce_sum3A_46 = arith.constant dense<0.000000e+00> : vector<48xf32>
    %reduce_sum3A_47 = vector.multi_reduction <add>, %mul3A_45, %reduce_sum3A_46 [1] : vector<48x240xf32> to vector<48xf32>
    %broadcast_in_dim3A_48 = vector.shape_cast %reduce_sum3A_47 : vector<48xf32> to vector<48x1xf32>
    %div3A_49 = arith.constant 1.024000e+03 : f32
    %div3A_50 = vector.broadcast %div3A_49 : f32 to vector<48x1xf32>
    %div3A_51 = arith.divf %broadcast_in_dim3A_48, %div3A_50 : vector<48x1xf32>
    %slice3A_52 = vector.extract_strided_slice %div3A_51 {offsets = [3, 0], sizes = [1, 1], strides = [1, 1]} : vector<48x1xf32> to vector<1x1xf32>
    %sub3A_53 = vector.broadcast %slice3A_52 : vector<1x1xf32> to vector<48x1xf32>
    %sub3A_54 = arith.subf %div3A_51, %sub3A_53 : vector<48x1xf32>
    %sub3A_55 = arith.constant 1.200000e+02 : f32
    %sub3A_56 = vector.broadcast %sub3A_55 : f32 to vector<1x1xf32>
    %sub3A_57 = arith.subf %sub3A_56, %slice3A_52 : vector<1x1xf32>
    %sub3A_58 = vector.broadcast %sub3A_57 : vector<1x1xf32> to vector<48x1xf32>
    %sub3A_59 = arith.subf %sub3A_54, %sub3A_58 : vector<48x1xf32>
    %round3A = math.roundeven %sub3A_59 : vector<48x1xf32>
    %convert_element_type3A_60 = arith.fptosi %round3A : vector<48x1xf32> to vector<48x1xi32>
    %get3A_61 = arith.constant 0 : index
    %get3A_62 = arith.constant 0 : index
    %get3A_63 = arith.constant 0 : index
    %get3A_64 = vector.load %arg2[%get3A_61, %get3A_62, %get3A_63] : memref<1x48x256xf32, #tpu.memory_space<vmem>>, vector<1x48x256xf32>
    %get3A_65 = vector.shape_cast %get3A_64 : vector<1x48x256xf32> to vector<48x256xf32>
    %slice3A_66 = vector.extract_strided_slice %get3A_65 {offsets = [0, 0], sizes = [48, 180], strides = [1, 1]} : vector<48x256xf32> to vector<48x180xf32>
    %reduce_sum3A_67 = vector.shape_cast %slice3A_66 : vector<48x180xf32> to vector<1x48x180xf32>
    %reduce_sum3A_68 = arith.constant dense<0.000000e+00> : vector<1xf32>
    %reduce_sum3A_69 = vector.multi_reduction <add>, %reduce_sum3A_67, %reduce_sum3A_68 [1, 2] : vector<1x48x180xf32> to vector<1xf32>
    %reduce_sum3A_70 = vector.shape_cast %reduce_sum3A_69 : vector<1xf32> to vector<1x1x1xf32>
    %reduce_sum3A_71 = vector.extract %reduce_sum3A_70[0, 0, 0] : f32 from vector<1x1x1xf32>
    %div3A_72 = arith.constant 8.640000e+03 : f32
    %div3A_73 = arith.divf %reduce_sum3A_71, %div3A_72 : f32
    %sub3A_74 = vector.broadcast %div3A_73 : f32 to vector<48x180xf32>
    %sub3A_75 = arith.subf %slice3A_66, %sub3A_74 : vector<48x180xf32>
    %integer_pow3A_76 = arith.mulf %sub3A_75, %sub3A_75 : vector<48x180xf32>
    %reduce_sum3A_77 = vector.shape_cast %integer_pow3A_76 : vector<48x180xf32> to vector<1x48x180xf32>
    %reduce_sum3A_78 = arith.constant dense<0.000000e+00> : vector<1xf32>
    %reduce_sum3A_79 = vector.multi_reduction <add>, %reduce_sum3A_77, %reduce_sum3A_78 [1, 2] : vector<1x48x180xf32> to vector<1xf32>
    %reduce_sum3A_80 = vector.shape_cast %reduce_sum3A_79 : vector<1xf32> to vector<1x1x1xf32>
    %reduce_sum3A_81 = vector.extract %reduce_sum3A_80[0, 0, 0] : f32 from vector<1x1x1xf32>
    %div3A_82 = arith.constant 8.639000e+03 : f32
    %div3A_83 = arith.divf %reduce_sum3A_81, %div3A_82 : f32
    %sqrt3A_84 = math.sqrt %div3A_83 : f32
    %mul3A_85 = arith.constant 3.000000e+00 : f32
    %mul3A_86 = arith.mulf %mul3A_85, %sqrt3A_84 : f32
    %add3A_87 = arith.addf %div3A_73, %mul3A_86 : f32
    %jit3A_88 = arith.constant 0.000000e+00 : f32
    %max3A_89 = vector.broadcast %jit3A_88 : f32 to vector<48x180xf32>
    %max3A_90 = arith.maximumf %max3A_89, %slice3A_66 : vector<48x180xf32>
    %min3A_91 = vector.broadcast %add3A_87 : f32 to vector<48x180xf32>
    %min3A_92 = arith.minimumf %min3A_91, %max3A_90 : vector<48x180xf32>
    %convert_element_type3A_93 = arith.truncf %min3A_92 : vector<48x180xf32> to vector<48x180xbf16>
    %iota3A_94 = tpu.iota {dimensions = array<i32: 0>} : vector<180x180xi32>
    %iota3A_95 = tpu.iota {dimensions = array<i32: 1>} : vector<180x180xi32>
    %sub3A_96 = arith.subi %iota3A_94, %iota3A_95 : vector<180x180xi32>
    %abs3A_97 = math.absi %sub3A_96 : vector<180x180xi32>
    %le3A_98 = arith.constant 2 : i32
    %le3A_99 = vector.broadcast %le3A_98 : i32 to vector<180x180xi32>
    %le3A_100 = arith.cmpi sle, %abs3A_97, %le3A_99 : vector<180x180xi32>
    %jit3A_101 = arith.constant 1.000000e+00 : f32
    %jit3A_102 = arith.constant 0.000000e+00 : f32
    %broadcast_in_dim3A_103 = vector.broadcast %jit3A_101 : f32 to vector<180x180xf32>
    %broadcast_in_dim3A_104 = vector.broadcast %jit3A_102 : f32 to vector<180x180xf32>
    %select_n3A_105 = arith.select %le3A_100, %broadcast_in_dim3A_103, %broadcast_in_dim3A_104 : vector<180x180xi1>, vector<180x180xf32>
    %convert_element_type3A_106 = arith.truncf %select_n3A_105 : vector<180x180xf32> to vector<180x180xbf16>
    %dot_general3A_107 = arith.constant dense<0.000000e+00> : vector<48x180xf32>
    %dot_general3A_108 = tpu.matmul %convert_element_type3A_93, %convert_element_type3A_106, %dot_general3A_107 {dimension_numbers = #tpu.dot_dimension_numbers<[1], [0], [0], [1], [0, 0, 1, 1], [], []>, transpose_lhs_hint = false} : vector<48x180xbf16>, vector<180x180xbf16>, vector<48x180xf32> -> vector<48x180xf32>
    %broadcast_in_dim3A_109 = arith.constant 0.000000e+00 : f32
    %broadcast_in_dim3A_110 = vector.broadcast %broadcast_in_dim3A_109 : f32 to vector<2x180xf32>
    %concatenate3A_111 = tpu.concatenate %broadcast_in_dim3A_110, %dot_general3A_108, %broadcast_in_dim3A_110 in 0 : vector<2x180xf32>, vector<48x180xf32>, vector<2x180xf32> -> vector<52x180xf32>
    %slice3A_112 = vector.extract_strided_slice %concatenate3A_111 {offsets = [0, 0], sizes = [48, 180], strides = [1, 1]} : vector<52x180xf32> to vector<48x180xf32>
    %slice3A_113 = vector.extract_strided_slice %concatenate3A_111 {offsets = [1, 0], sizes = [48, 180], strides = [1, 1]} : vector<52x180xf32> to vector<48x180xf32>
    %add3A_114 = arith.addf %slice3A_112, %slice3A_113 : vector<48x180xf32>
    %slice3A_115 = vector.extract_strided_slice %concatenate3A_111 {offsets = [2, 0], sizes = [48, 180], strides = [1, 1]} : vector<52x180xf32> to vector<48x180xf32>
    %add3A_116 = arith.addf %add3A_114, %slice3A_115 : vector<48x180xf32>
    %slice3A_117 = vector.extract_strided_slice %concatenate3A_111 {offsets = [3, 0], sizes = [48, 180], strides = [1, 1]} : vector<52x180xf32> to vector<48x180xf32>
    %add3A_118 = arith.addf %add3A_116, %slice3A_117 : vector<48x180xf32>
    %slice3A_119 = vector.extract_strided_slice %concatenate3A_111 {offsets = [4, 0], sizes = [48, 180], strides = [1, 1]} : vector<52x180xf32> to vector<48x180xf32>
    %add3A_120 = arith.addf %add3A_118, %slice3A_119 : vector<48x180xf32>
    %mul3A_121 = arith.constant 0.0400390625 : f32
    %mul3A_122 = vector.broadcast %mul3A_121 : f32 to vector<48x180xf32>
    %mul3A_123 = arith.mulf %mul3A_122, %add3A_120 : vector<48x180xf32>
    %iota3A_124 = tpu.iota {dimensions = array<i32: 1>} : vector<48x180xi32>
    %convert_element_type3A_125 = arith.sitofp %iota3A_124 : vector<48x180xi32> to vector<48x180xf32>
    %mul3A_126 = arith.mulf %mul3A_123, %convert_element_type3A_125 : vector<48x180xf32>
    %reduce_sum3A_127 = arith.constant dense<0.000000e+00> : vector<48xf32>
    %reduce_sum3A_128 = vector.multi_reduction <add>, %mul3A_126, %reduce_sum3A_127 [1] : vector<48x180xf32> to vector<48xf32>
    %broadcast_in_dim3A_129 = vector.shape_cast %reduce_sum3A_128 : vector<48xf32> to vector<48x1xf32>
    %div3A_130 = arith.constant 1.024000e+03 : f32
    %div3A_131 = vector.broadcast %div3A_130 : f32 to vector<48x1xf32>
    %div3A_132 = arith.divf %broadcast_in_dim3A_129, %div3A_131 : vector<48x1xf32>
    %slice3A_133 = vector.extract_strided_slice %div3A_132 {offsets = [3, 0], sizes = [1, 1], strides = [1, 1]} : vector<48x1xf32> to vector<1x1xf32>
    %sub3A_134 = vector.broadcast %slice3A_133 : vector<1x1xf32> to vector<48x1xf32>
    %sub3A_135 = arith.subf %div3A_132, %sub3A_134 : vector<48x1xf32>
    %sub3A_136 = arith.constant 9.000000e+01 : f32
    %sub3A_137 = vector.broadcast %sub3A_136 : f32 to vector<1x1xf32>
    %sub3A_138 = arith.subf %sub3A_137, %slice3A_133 : vector<1x1xf32>
    %sub3A_139 = vector.broadcast %sub3A_138 : vector<1x1xf32> to vector<48x1xf32>
    %sub3A_140 = arith.subf %sub3A_135, %sub3A_139 : vector<48x1xf32>
    %round3A_141 = math.roundeven %sub3A_140 : vector<48x1xf32>
    %convert_element_type3A_142 = arith.fptosi %round3A_141 : vector<48x1xf32> to vector<48x1xi32>
    %slice3A_143 = vector.extract_strided_slice %div3A_51 {offsets = [3, 0], sizes = [35, 1], strides = [1, 1]} : vector<48x1xf32> to vector<35x1xf32>
    %slice3A_144 = vector.extract_strided_slice %div3A_51 {offsets = [4, 0], sizes = [35, 1], strides = [1, 1]} : vector<48x1xf32> to vector<35x1xf32>
    %slice3A_145 = vector.extract_strided_slice %div3A_51 {offsets = [5, 0], sizes = [35, 1], strides = [1, 1]} : vector<48x1xf32> to vector<35x1xf32>
    %slice3A_146 = vector.extract_strided_slice %div3A_51 {offsets = [6, 0], sizes = [35, 1], strides = [1, 1]} : vector<48x1xf32> to vector<35x1xf32>
    %slice3A_147 = vector.extract_strided_slice %div3A_51 {offsets = [7, 0], sizes = [35, 1], strides = [1, 1]} : vector<48x1xf32> to vector<35x1xf32>
    %slice3A_148 = vector.extract_strided_slice %div3A_51 {offsets = [8, 0], sizes = [35, 1], strides = [1, 1]} : vector<48x1xf32> to vector<35x1xf32>
    %slice3A_149 = vector.extract_strided_slice %div3A_51 {offsets = [9, 0], sizes = [35, 1], strides = [1, 1]} : vector<48x1xf32> to vector<35x1xf32>
    %slice3A_150 = vector.extract_strided_slice %div3A_51 {offsets = [10, 0], sizes = [35, 1], strides = [1, 1]} : vector<48x1xf32> to vector<35x1xf32>
    %slice3A_151 = vector.extract_strided_slice %div3A_51 {offsets = [11, 0], sizes = [35, 1], strides = [1, 1]} : vector<48x1xf32> to vector<35x1xf32>
    %slice3A_152 = vector.extract_strided_slice %div3A_51 {offsets = [12, 0], sizes = [35, 1], strides = [1, 1]} : vector<48x1xf32> to vector<35x1xf32>
    %slice3A_153 = vector.extract_strided_slice %div3A_132 {offsets = [3, 0], sizes = [35, 1], strides = [1, 1]} : vector<48x1xf32> to vector<35x1xf32>
    %slice3A_154 = vector.extract_strided_slice %div3A_132 {offsets = [4, 0], sizes = [35, 1], strides = [1, 1]} : vector<48x1xf32> to vector<35x1xf32>
    %slice3A_155 = vector.extract_strided_slice %div3A_132 {offsets = [5, 0], sizes = [35, 1], strides = [1, 1]} : vector<48x1xf32> to vector<35x1xf32>
    %slice3A_156 = vector.extract_strided_slice %div3A_132 {offsets = [6, 0], sizes = [35, 1], strides = [1, 1]} : vector<48x1xf32> to vector<35x1xf32>
    %slice3A_157 = vector.extract_strided_slice %div3A_132 {offsets = [7, 0], sizes = [35, 1], strides = [1, 1]} : vector<48x1xf32> to vector<35x1xf32>
    %slice3A_158 = vector.extract_strided_slice %div3A_132 {offsets = [8, 0], sizes = [35, 1], strides = [1, 1]} : vector<48x1xf32> to vector<35x1xf32>
    %slice3A_159 = vector.extract_strided_slice %div3A_132 {offsets = [9, 0], sizes = [35, 1], strides = [1, 1]} : vector<48x1xf32> to vector<35x1xf32>
    %slice3A_160 = vector.extract_strided_slice %div3A_132 {offsets = [10, 0], sizes = [35, 1], strides = [1, 1]} : vector<48x1xf32> to vector<35x1xf32>
    %slice3A_161 = vector.extract_strided_slice %div3A_132 {offsets = [11, 0], sizes = [35, 1], strides = [1, 1]} : vector<48x1xf32> to vector<35x1xf32>
    %slice3A_162 = vector.extract_strided_slice %div3A_132 {offsets = [12, 0], sizes = [35, 1], strides = [1, 1]} : vector<48x1xf32> to vector<35x1xf32>
    %min3A_163 = arith.minimumf %slice3A_143, %slice3A_144 : vector<35x1xf32>
    %max3A_164 = arith.maximumf %slice3A_143, %slice3A_144 : vector<35x1xf32>
    %min3A_165 = arith.minimumf %slice3A_145, %slice3A_146 : vector<35x1xf32>
    %max3A_166 = arith.maximumf %slice3A_145, %slice3A_146 : vector<35x1xf32>
    %min3A_167 = arith.minimumf %slice3A_147, %slice3A_148 : vector<35x1xf32>
    %max3A_168 = arith.maximumf %slice3A_147, %slice3A_148 : vector<35x1xf32>
    %min3A_169 = arith.minimumf %slice3A_149, %slice3A_150 : vector<35x1xf32>
    %max3A_170 = arith.maximumf %slice3A_149, %slice3A_150 : vector<35x1xf32>
    %min3A_171 = arith.minimumf %slice3A_151, %slice3A_152 : vector<35x1xf32>
    %max3A_172 = arith.maximumf %slice3A_151, %slice3A_152 : vector<35x1xf32>
    %min3A_173 = arith.minimumf %max3A_164, %min3A_165 : vector<35x1xf32>
    %max3A_174 = arith.maximumf %max3A_164, %min3A_165 : vector<35x1xf32>
    %min3A_175 = arith.minimumf %max3A_166, %min3A_167 : vector<35x1xf32>
    %max3A_176 = arith.maximumf %max3A_166, %min3A_167 : vector<35x1xf32>
    %min3A_177 = arith.minimumf %max3A_168, %min3A_169 : vector<35x1xf32>
    %max3A_178 = arith.maximumf %max3A_168, %min3A_169 : vector<35x1xf32>
    %min3A_179 = arith.minimumf %max3A_170, %min3A_171 : vector<35x1xf32>
    %max3A_180 = arith.maximumf %max3A_170, %min3A_171 : vector<35x1xf32>
    %min3A_181 = arith.minimumf %min3A_163, %min3A_173 : vector<35x1xf32>
    %max3A_182 = arith.maximumf %min3A_163, %min3A_173 : vector<35x1xf32>
    %min3A_183 = arith.minimumf %max3A_174, %min3A_175 : vector<35x1xf32>
    %max3A_184 = arith.maximumf %max3A_174, %min3A_175 : vector<35x1xf32>
    %min3A_185 = arith.minimumf %max3A_176, %min3A_177 : vector<35x1xf32>
    %max3A_186 = arith.maximumf %max3A_176, %min3A_177 : vector<35x1xf32>
    %min3A_187 = arith.minimumf %max3A_178, %min3A_179 : vector<35x1xf32>
    %max3A_188 = arith.maximumf %max3A_178, %min3A_179 : vector<35x1xf32>
    %min3A_189 = arith.minimumf %max3A_180, %max3A_172 : vector<35x1xf32>
    %max3A_190 = arith.maximumf %max3A_180, %max3A_172 : vector<35x1xf32>
    %min3A_191 = arith.minimumf %max3A_182, %min3A_183 : vector<35x1xf32>
    %max3A_192 = arith.maximumf %max3A_182, %min3A_183 : vector<35x1xf32>
    %min3A_193 = arith.minimumf %max3A_184, %min3A_185 : vector<35x1xf32>
    %max3A_194 = arith.maximumf %max3A_184, %min3A_185 : vector<35x1xf32>
    %min3A_195 = arith.minimumf %max3A_186, %min3A_187 : vector<35x1xf32>
    %max3A_196 = arith.maximumf %max3A_186, %min3A_187 : vector<35x1xf32>
    %min3A_197 = arith.minimumf %max3A_188, %min3A_189 : vector<35x1xf32>
    %max3A_198 = arith.maximumf %max3A_188, %min3A_189 : vector<35x1xf32>
    %min3A_199 = arith.minimumf %min3A_181, %min3A_191 : vector<35x1xf32>
    %max3A_200 = arith.maximumf %min3A_181, %min3A_191 : vector<35x1xf32>
    %min3A_201 = arith.minimumf %max3A_192, %min3A_193 : vector<35x1xf32>
    %max3A_202 = arith.maximumf %max3A_192, %min3A_193 : vector<35x1xf32>
    %min3A_203 = arith.minimumf %max3A_194, %min3A_195 : vector<35x1xf32>
    %max3A_204 = arith.maximumf %max3A_194, %min3A_195 : vector<35x1xf32>
    %min3A_205 = arith.minimumf %max3A_196, %min3A_197 : vector<35x1xf32>
    %max3A_206 = arith.maximumf %max3A_196, %min3A_197 : vector<35x1xf32>
    %min3A_207 = arith.minimumf %max3A_198, %max3A_190 : vector<35x1xf32>
    %max3A_208 = arith.maximumf %max3A_198, %max3A_190 : vector<35x1xf32>
    %min3A_209 = arith.minimumf %max3A_200, %min3A_201 : vector<35x1xf32>
    %max3A_210 = arith.maximumf %max3A_200, %min3A_201 : vector<35x1xf32>
    %min3A_211 = arith.minimumf %max3A_202, %min3A_203 : vector<35x1xf32>
    %max3A_212 = arith.maximumf %max3A_202, %min3A_203 : vector<35x1xf32>
    %min3A_213 = arith.minimumf %max3A_204, %min3A_205 : vector<35x1xf32>
    %max3A_214 = arith.maximumf %max3A_204, %min3A_205 : vector<35x1xf32>
    %min3A_215 = arith.minimumf %max3A_206, %min3A_207 : vector<35x1xf32>
    %max3A_216 = arith.maximumf %max3A_206, %min3A_207 : vector<35x1xf32>
    %max3A_217 = arith.maximumf %min3A_199, %min3A_209 : vector<35x1xf32>
    %min3A_218 = arith.minimumf %max3A_210, %min3A_211 : vector<35x1xf32>
    %max3A_219 = arith.maximumf %max3A_210, %min3A_211 : vector<35x1xf32>
    %min3A_220 = arith.minimumf %max3A_212, %min3A_213 : vector<35x1xf32>
    %max3A_221 = arith.maximumf %max3A_212, %min3A_213 : vector<35x1xf32>
    %min3A_222 = arith.minimumf %max3A_214, %min3A_215 : vector<35x1xf32>
    %max3A_223 = arith.maximumf %max3A_214, %min3A_215 : vector<35x1xf32>
    %min3A_224 = arith.minimumf %max3A_216, %max3A_208 : vector<35x1xf32>
    %max3A_225 = arith.maximumf %max3A_217, %min3A_218 : vector<35x1xf32>
    %min3A_226 = arith.minimumf %max3A_219, %min3A_220 : vector<35x1xf32>
    %max3A_227 = arith.maximumf %max3A_219, %min3A_220 : vector<35x1xf32>
    %min3A_228 = arith.minimumf %max3A_221, %min3A_222 : vector<35x1xf32>
    %max3A_229 = arith.maximumf %max3A_221, %min3A_222 : vector<35x1xf32>
    %min3A_230 = arith.minimumf %max3A_223, %min3A_224 : vector<35x1xf32>
    %max3A_231 = arith.maximumf %max3A_225, %min3A_226 : vector<35x1xf32>
    %min3A_232 = arith.minimumf %max3A_227, %min3A_228 : vector<35x1xf32>
    %max3A_233 = arith.maximumf %max3A_227, %min3A_228 : vector<35x1xf32>
    %min3A_234 = arith.minimumf %max3A_229, %min3A_230 : vector<35x1xf32>
    %max3A_235 = arith.maximumf %max3A_231, %min3A_232 : vector<35x1xf32>
    %min3A_236 = arith.minimumf %max3A_233, %min3A_234 : vector<35x1xf32>
    %add3A_237 = arith.addf %max3A_235, %min3A_236 : vector<35x1xf32>
    %mul3A_238 = arith.constant 5.000000e-01 : f32
    %mul3A_239 = vector.broadcast %mul3A_238 : f32 to vector<35x1xf32>
    %mul3A_240 = arith.mulf %mul3A_239, %add3A_237 : vector<35x1xf32>
    %sub3A_241 = arith.subf %slice3A_143, %mul3A_240 : vector<35x1xf32>
    %abs3A_242 = math.absf %sub3A_241 : vector<35x1xf32>
    %sub3A_243 = arith.subf %slice3A_144, %mul3A_240 : vector<35x1xf32>
    %abs3A_244 = math.absf %sub3A_243 : vector<35x1xf32>
    %sub3A_245 = arith.subf %slice3A_145, %mul3A_240 : vector<35x1xf32>
    %abs3A_246 = math.absf %sub3A_245 : vector<35x1xf32>
    %sub3A_247 = arith.subf %slice3A_146, %mul3A_240 : vector<35x1xf32>
    %abs3A_248 = math.absf %sub3A_247 : vector<35x1xf32>
    %sub3A_249 = arith.subf %slice3A_147, %mul3A_240 : vector<35x1xf32>
    %abs3A_250 = math.absf %sub3A_249 : vector<35x1xf32>
    %sub3A_251 = arith.subf %slice3A_148, %mul3A_240 : vector<35x1xf32>
    %abs3A_252 = math.absf %sub3A_251 : vector<35x1xf32>
    %sub3A_253 = arith.subf %slice3A_149, %mul3A_240 : vector<35x1xf32>
    %abs3A_254 = math.absf %sub3A_253 : vector<35x1xf32>
    %sub3A_255 = arith.subf %slice3A_150, %mul3A_240 : vector<35x1xf32>
    %abs3A_256 = math.absf %sub3A_255 : vector<35x1xf32>
    %sub3A_257 = arith.subf %slice3A_151, %mul3A_240 : vector<35x1xf32>
    %abs3A_258 = math.absf %sub3A_257 : vector<35x1xf32>
    %sub3A_259 = arith.subf %slice3A_152, %mul3A_240 : vector<35x1xf32>
    %abs3A_260 = math.absf %sub3A_259 : vector<35x1xf32>
    %min3A_261 = arith.minimumf %abs3A_242, %abs3A_244 : vector<35x1xf32>
    %max3A_262 = arith.maximumf %abs3A_242, %abs3A_244 : vector<35x1xf32>
    %min3A_263 = arith.minimumf %abs3A_246, %abs3A_248 : vector<35x1xf32>
    %max3A_264 = arith.maximumf %abs3A_246, %abs3A_248 : vector<35x1xf32>
    %min3A_265 = arith.minimumf %abs3A_250, %abs3A_252 : vector<35x1xf32>
    %max3A_266 = arith.maximumf %abs3A_250, %abs3A_252 : vector<35x1xf32>
    %min3A_267 = arith.minimumf %abs3A_254, %abs3A_256 : vector<35x1xf32>
    %max3A_268 = arith.maximumf %abs3A_254, %abs3A_256 : vector<35x1xf32>
    %min3A_269 = arith.minimumf %abs3A_258, %abs3A_260 : vector<35x1xf32>
    %max3A_270 = arith.maximumf %abs3A_258, %abs3A_260 : vector<35x1xf32>
    %min3A_271 = arith.minimumf %max3A_262, %min3A_263 : vector<35x1xf32>
    %max3A_272 = arith.maximumf %max3A_262, %min3A_263 : vector<35x1xf32>
    %min3A_273 = arith.minimumf %max3A_264, %min3A_265 : vector<35x1xf32>
    %max3A_274 = arith.maximumf %max3A_264, %min3A_265 : vector<35x1xf32>
    %min3A_275 = arith.minimumf %max3A_266, %min3A_267 : vector<35x1xf32>
    %max3A_276 = arith.maximumf %max3A_266, %min3A_267 : vector<35x1xf32>
    %min3A_277 = arith.minimumf %max3A_268, %min3A_269 : vector<35x1xf32>
    %max3A_278 = arith.maximumf %max3A_268, %min3A_269 : vector<35x1xf32>
    %min3A_279 = arith.minimumf %min3A_261, %min3A_271 : vector<35x1xf32>
    %max3A_280 = arith.maximumf %min3A_261, %min3A_271 : vector<35x1xf32>
    %min3A_281 = arith.minimumf %max3A_272, %min3A_273 : vector<35x1xf32>
    %max3A_282 = arith.maximumf %max3A_272, %min3A_273 : vector<35x1xf32>
    %min3A_283 = arith.minimumf %max3A_274, %min3A_275 : vector<35x1xf32>
    %max3A_284 = arith.maximumf %max3A_274, %min3A_275 : vector<35x1xf32>
    %min3A_285 = arith.minimumf %max3A_276, %min3A_277 : vector<35x1xf32>
    %max3A_286 = arith.maximumf %max3A_276, %min3A_277 : vector<35x1xf32>
    %min3A_287 = arith.minimumf %max3A_278, %max3A_270 : vector<35x1xf32>
    %max3A_288 = arith.maximumf %max3A_278, %max3A_270 : vector<35x1xf32>
    %min3A_289 = arith.minimumf %max3A_280, %min3A_281 : vector<35x1xf32>
    %max3A_290 = arith.maximumf %max3A_280, %min3A_281 : vector<35x1xf32>
    %min3A_291 = arith.minimumf %max3A_282, %min3A_283 : vector<35x1xf32>
    %max3A_292 = arith.maximumf %max3A_282, %min3A_283 : vector<35x1xf32>
    %min3A_293 = arith.minimumf %max3A_284, %min3A_285 : vector<35x1xf32>
    %max3A_294 = arith.maximumf %max3A_284, %min3A_285 : vector<35x1xf32>
    %min3A_295 = arith.minimumf %max3A_286, %min3A_287 : vector<35x1xf32>
    %max3A_296 = arith.maximumf %max3A_286, %min3A_287 : vector<35x1xf32>
    %min3A_297 = arith.minimumf %min3A_279, %min3A_289 : vector<35x1xf32>
    %max3A_298 = arith.maximumf %min3A_279, %min3A_289 : vector<35x1xf32>
    %min3A_299 = arith.minimumf %max3A_290, %min3A_291 : vector<35x1xf32>
    %max3A_300 = arith.maximumf %max3A_290, %min3A_291 : vector<35x1xf32>
    %min3A_301 = arith.minimumf %max3A_292, %min3A_293 : vector<35x1xf32>
    %max3A_302 = arith.maximumf %max3A_292, %min3A_293 : vector<35x1xf32>
    %min3A_303 = arith.minimumf %max3A_294, %min3A_295 : vector<35x1xf32>
    %max3A_304 = arith.maximumf %max3A_294, %min3A_295 : vector<35x1xf32>
    %min3A_305 = arith.minimumf %max3A_296, %max3A_288 : vector<35x1xf32>
    %max3A_306 = arith.maximumf %max3A_296, %max3A_288 : vector<35x1xf32>
    %min3A_307 = arith.minimumf %max3A_298, %min3A_299 : vector<35x1xf32>
    %max3A_308 = arith.maximumf %max3A_298, %min3A_299 : vector<35x1xf32>
    %min3A_309 = arith.minimumf %max3A_300, %min3A_301 : vector<35x1xf32>
    %max3A_310 = arith.maximumf %max3A_300, %min3A_301 : vector<35x1xf32>
    %min3A_311 = arith.minimumf %max3A_302, %min3A_303 : vector<35x1xf32>
    %max3A_312 = arith.maximumf %max3A_302, %min3A_303 : vector<35x1xf32>
    %min3A_313 = arith.minimumf %max3A_304, %min3A_305 : vector<35x1xf32>
    %max3A_314 = arith.maximumf %max3A_304, %min3A_305 : vector<35x1xf32>
    %max3A_315 = arith.maximumf %min3A_297, %min3A_307 : vector<35x1xf32>
    %min3A_316 = arith.minimumf %max3A_308, %min3A_309 : vector<35x1xf32>
    %max3A_317 = arith.maximumf %max3A_308, %min3A_309 : vector<35x1xf32>
    %min3A_318 = arith.minimumf %max3A_310, %min3A_311 : vector<35x1xf32>
    %max3A_319 = arith.maximumf %max3A_310, %min3A_311 : vector<35x1xf32>
    %min3A_320 = arith.minimumf %max3A_312, %min3A_313 : vector<35x1xf32>
    %max3A_321 = arith.maximumf %max3A_312, %min3A_313 : vector<35x1xf32>
    %min3A_322 = arith.minimumf %max3A_314, %max3A_306 : vector<35x1xf32>
    %max3A_323 = arith.maximumf %max3A_315, %min3A_316 : vector<35x1xf32>
    %min3A_324 = arith.minimumf %max3A_317, %min3A_318 : vector<35x1xf32>
    %max3A_325 = arith.maximumf %max3A_317, %min3A_318 : vector<35x1xf32>
    %min3A_326 = arith.minimumf %max3A_319, %min3A_320 : vector<35x1xf32>
    %max3A_327 = arith.maximumf %max3A_319, %min3A_320 : vector<35x1xf32>
    %min3A_328 = arith.minimumf %max3A_321, %min3A_322 : vector<35x1xf32>
    %max3A_329 = arith.maximumf %max3A_323, %min3A_324 : vector<35x1xf32>
    %min3A_330 = arith.minimumf %max3A_325, %min3A_326 : vector<35x1xf32>
    %max3A_331 = arith.maximumf %max3A_325, %min3A_326 : vector<35x1xf32>
    %min3A_332 = arith.minimumf %max3A_327, %min3A_328 : vector<35x1xf32>
    %max3A_333 = arith.maximumf %max3A_329, %min3A_330 : vector<35x1xf32>
    %min3A_334 = arith.minimumf %max3A_331, %min3A_332 : vector<35x1xf32>
    %add3A_335 = arith.addf %max3A_333, %min3A_334 : vector<35x1xf32>
    %mul3A_336 = arith.constant 5.000000e-01 : f32
    %mul3A_337 = vector.broadcast %mul3A_336 : f32 to vector<35x1xf32>
    %mul3A_338 = arith.mulf %mul3A_337, %add3A_335 : vector<35x1xf32>
    %eq3A = arith.constant 0.000000e+00 : f32
    %eq3A_339 = vector.broadcast %eq3A : f32 to vector<35x1xf32>
    %eq3A_340 = arith.cmpf oeq, %mul3A_338, %eq3A_339 : vector<35x1xf32>
    %jit3A_341 = arith.constant 1.000000e+00 : f32
    %broadcast_in_dim3A_342 = vector.broadcast %jit3A_341 : f32 to vector<35x1xf32>
    %select_n3A_343 = arith.select %eq3A_340, %broadcast_in_dim3A_342, %mul3A_338 : vector<35x1xi1>, vector<35x1xf32>
    %mul3A_344 = arith.constant 0.674499988 : f32
    %mul3A_345 = vector.broadcast %mul3A_344 : f32 to vector<35x1xf32>
    %mul3A_346 = arith.mulf %mul3A_345, %abs3A_242 : vector<35x1xf32>
    %div3A_347 = arith.divf %mul3A_346, %select_n3A_343 : vector<35x1xf32>
    %gt3A = arith.constant 2.000000e+00 : f32
    %gt3A_348 = vector.broadcast %gt3A : f32 to vector<35x1xf32>
    %gt3A_349 = arith.cmpf ogt, %div3A_347, %gt3A_348 : vector<35x1xf32>
    %jit3A_350 = arith.constant 1.000000e+00 : f32
    %jit3A_351 = arith.constant 0.000000e+00 : f32
    %broadcast_in_dim3A_352 = vector.broadcast %jit3A_350 : f32 to vector<35x1xf32>
    %broadcast_in_dim3A_353 = vector.broadcast %jit3A_351 : f32 to vector<35x1xf32>
    %select_n3A_354 = arith.select %gt3A_349, %broadcast_in_dim3A_352, %broadcast_in_dim3A_353 : vector<35x1xi1>, vector<35x1xf32>
    %eq3A_355 = arith.constant 0.000000e+00 : f32
    %eq3A_356 = vector.broadcast %eq3A_355 : f32 to vector<35x1xf32>
    %eq3A_357 = arith.cmpf oeq, %mul3A_338, %eq3A_356 : vector<35x1xf32>
    %jit3A_358 = arith.constant 0.000000e+00 : f32
    %broadcast_in_dim3A_359 = vector.broadcast %jit3A_358 : f32 to vector<35x1xf32>
    %select_n3A_360 = arith.select %eq3A_357, %broadcast_in_dim3A_359, %select_n3A_354 : vector<35x1xi1>, vector<35x1xf32>
    %sub3A_361 = arith.constant 1.000000e+00 : f32
    %sub3A_362 = vector.broadcast %sub3A_361 : f32 to vector<35x1xf32>
    %sub3A_363 = arith.subf %sub3A_362, %select_n3A_360 : vector<35x1xf32>
    %min3A_364 = arith.minimumf %slice3A_153, %slice3A_154 : vector<35x1xf32>
    %max3A_365 = arith.maximumf %slice3A_153, %slice3A_154 : vector<35x1xf32>
    %min3A_366 = arith.minimumf %slice3A_155, %slice3A_156 : vector<35x1xf32>
    %max3A_367 = arith.maximumf %slice3A_155, %slice3A_156 : vector<35x1xf32>
    %min3A_368 = arith.minimumf %slice3A_157, %slice3A_158 : vector<35x1xf32>
    %max3A_369 = arith.maximumf %slice3A_157, %slice3A_158 : vector<35x1xf32>
    %min3A_370 = arith.minimumf %slice3A_159, %slice3A_160 : vector<35x1xf32>
    %max3A_371 = arith.maximumf %slice3A_159, %slice3A_160 : vector<35x1xf32>
    %min3A_372 = arith.minimumf %slice3A_161, %slice3A_162 : vector<35x1xf32>
    %max3A_373 = arith.maximumf %slice3A_161, %slice3A_162 : vector<35x1xf32>
    %min3A_374 = arith.minimumf %max3A_365, %min3A_366 : vector<35x1xf32>
    %max3A_375 = arith.maximumf %max3A_365, %min3A_366 : vector<35x1xf32>
    %min3A_376 = arith.minimumf %max3A_367, %min3A_368 : vector<35x1xf32>
    %max3A_377 = arith.maximumf %max3A_367, %min3A_368 : vector<35x1xf32>
    %min3A_378 = arith.minimumf %max3A_369, %min3A_370 : vector<35x1xf32>
    %max3A_379 = arith.maximumf %max3A_369, %min3A_370 : vector<35x1xf32>
    %min3A_380 = arith.minimumf %max3A_371, %min3A_372 : vector<35x1xf32>
    %max3A_381 = arith.maximumf %max3A_371, %min3A_372 : vector<35x1xf32>
    %min3A_382 = arith.minimumf %min3A_364, %min3A_374 : vector<35x1xf32>
    %max3A_383 = arith.maximumf %min3A_364, %min3A_374 : vector<35x1xf32>
    %min3A_384 = arith.minimumf %max3A_375, %min3A_376 : vector<35x1xf32>
    %max3A_385 = arith.maximumf %max3A_375, %min3A_376 : vector<35x1xf32>
    %min3A_386 = arith.minimumf %max3A_377, %min3A_378 : vector<35x1xf32>
    %max3A_387 = arith.maximumf %max3A_377, %min3A_378 : vector<35x1xf32>
    %min3A_388 = arith.minimumf %max3A_379, %min3A_380 : vector<35x1xf32>
    %max3A_389 = arith.maximumf %max3A_379, %min3A_380 : vector<35x1xf32>
    %min3A_390 = arith.minimumf %max3A_381, %max3A_373 : vector<35x1xf32>
    %max3A_391 = arith.maximumf %max3A_381, %max3A_373 : vector<35x1xf32>
    %min3A_392 = arith.minimumf %max3A_383, %min3A_384 : vector<35x1xf32>
    %max3A_393 = arith.maximumf %max3A_383, %min3A_384 : vector<35x1xf32>
    %min3A_394 = arith.minimumf %max3A_385, %min3A_386 : vector<35x1xf32>
    %max3A_395 = arith.maximumf %max3A_385, %min3A_386 : vector<35x1xf32>
    %min3A_396 = arith.minimumf %max3A_387, %min3A_388 : vector<35x1xf32>
    %max3A_397 = arith.maximumf %max3A_387, %min3A_388 : vector<35x1xf32>
    %min3A_398 = arith.minimumf %max3A_389, %min3A_390 : vector<35x1xf32>
    %max3A_399 = arith.maximumf %max3A_389, %min3A_390 : vector<35x1xf32>
    %min3A_400 = arith.minimumf %min3A_382, %min3A_392 : vector<35x1xf32>
    %max3A_401 = arith.maximumf %min3A_382, %min3A_392 : vector<35x1xf32>
    %min3A_402 = arith.minimumf %max3A_393, %min3A_394 : vector<35x1xf32>
    %max3A_403 = arith.maximumf %max3A_393, %min3A_394 : vector<35x1xf32>
    %min3A_404 = arith.minimumf %max3A_395, %min3A_396 : vector<35x1xf32>
    %max3A_405 = arith.maximumf %max3A_395, %min3A_396 : vector<35x1xf32>
    %min3A_406 = arith.minimumf %max3A_397, %min3A_398 : vector<35x1xf32>
    %max3A_407 = arith.maximumf %max3A_397, %min3A_398 : vector<35x1xf32>
    %min3A_408 = arith.minimumf %max3A_399, %max3A_391 : vector<35x1xf32>
    %max3A_409 = arith.maximumf %max3A_399, %max3A_391 : vector<35x1xf32>
    %min3A_410 = arith.minimumf %max3A_401, %min3A_402 : vector<35x1xf32>
    %max3A_411 = arith.maximumf %max3A_401, %min3A_402 : vector<35x1xf32>
    %min3A_412 = arith.minimumf %max3A_403, %min3A_404 : vector<35x1xf32>
    %max3A_413 = arith.maximumf %max3A_403, %min3A_404 : vector<35x1xf32>
    %min3A_414 = arith.minimumf %max3A_405, %min3A_406 : vector<35x1xf32>
    %max3A_415 = arith.maximumf %max3A_405, %min3A_406 : vector<35x1xf32>
    %min3A_416 = arith.minimumf %max3A_407, %min3A_408 : vector<35x1xf32>
    %max3A_417 = arith.maximumf %max3A_407, %min3A_408 : vector<35x1xf32>
    %max3A_418 = arith.maximumf %min3A_400, %min3A_410 : vector<35x1xf32>
    %min3A_419 = arith.minimumf %max3A_411, %min3A_412 : vector<35x1xf32>
    %max3A_420 = arith.maximumf %max3A_411, %min3A_412 : vector<35x1xf32>
    %min3A_421 = arith.minimumf %max3A_413, %min3A_414 : vector<35x1xf32>
    %max3A_422 = arith.maximumf %max3A_413, %min3A_414 : vector<35x1xf32>
    %min3A_423 = arith.minimumf %max3A_415, %min3A_416 : vector<35x1xf32>
    %max3A_424 = arith.maximumf %max3A_415, %min3A_416 : vector<35x1xf32>
    %min3A_425 = arith.minimumf %max3A_417, %max3A_409 : vector<35x1xf32>
    %max3A_426 = arith.maximumf %max3A_418, %min3A_419 : vector<35x1xf32>
    %min3A_427 = arith.minimumf %max3A_420, %min3A_421 : vector<35x1xf32>
    %max3A_428 = arith.maximumf %max3A_420, %min3A_421 : vector<35x1xf32>
    %min3A_429 = arith.minimumf %max3A_422, %min3A_423 : vector<35x1xf32>
    %max3A_430 = arith.maximumf %max3A_422, %min3A_423 : vector<35x1xf32>
    %min3A_431 = arith.minimumf %max3A_424, %min3A_425 : vector<35x1xf32>
    %max3A_432 = arith.maximumf %max3A_426, %min3A_427 : vector<35x1xf32>
    %min3A_433 = arith.minimumf %max3A_428, %min3A_429 : vector<35x1xf32>
    %max3A_434 = arith.maximumf %max3A_428, %min3A_429 : vector<35x1xf32>
    %min3A_435 = arith.minimumf %max3A_430, %min3A_431 : vector<35x1xf32>
    %max3A_436 = arith.maximumf %max3A_432, %min3A_433 : vector<35x1xf32>
    %min3A_437 = arith.minimumf %max3A_434, %min3A_435 : vector<35x1xf32>
    %add3A_438 = arith.addf %max3A_436, %min3A_437 : vector<35x1xf32>
    %mul3A_439 = arith.constant 5.000000e-01 : f32
    %mul3A_440 = vector.broadcast %mul3A_439 : f32 to vector<35x1xf32>
    %mul3A_441 = arith.mulf %mul3A_440, %add3A_438 : vector<35x1xf32>
    %sub3A_442 = arith.subf %slice3A_153, %mul3A_441 : vector<35x1xf32>
    %abs3A_443 = math.absf %sub3A_442 : vector<35x1xf32>
    %sub3A_444 = arith.subf %slice3A_154, %mul3A_441 : vector<35x1xf32>
    %abs3A_445 = math.absf %sub3A_444 : vector<35x1xf32>
    %sub3A_446 = arith.subf %slice3A_155, %mul3A_441 : vector<35x1xf32>
    %abs3A_447 = math.absf %sub3A_446 : vector<35x1xf32>
    %sub3A_448 = arith.subf %slice3A_156, %mul3A_441 : vector<35x1xf32>
    %abs3A_449 = math.absf %sub3A_448 : vector<35x1xf32>
    %sub3A_450 = arith.subf %slice3A_157, %mul3A_441 : vector<35x1xf32>
    %abs3A_451 = math.absf %sub3A_450 : vector<35x1xf32>
    %sub3A_452 = arith.subf %slice3A_158, %mul3A_441 : vector<35x1xf32>
    %abs3A_453 = math.absf %sub3A_452 : vector<35x1xf32>
    %sub3A_454 = arith.subf %slice3A_159, %mul3A_441 : vector<35x1xf32>
    %abs3A_455 = math.absf %sub3A_454 : vector<35x1xf32>
    %sub3A_456 = arith.subf %slice3A_160, %mul3A_441 : vector<35x1xf32>
    %abs3A_457 = math.absf %sub3A_456 : vector<35x1xf32>
    %sub3A_458 = arith.subf %slice3A_161, %mul3A_441 : vector<35x1xf32>
    %abs3A_459 = math.absf %sub3A_458 : vector<35x1xf32>
    %sub3A_460 = arith.subf %slice3A_162, %mul3A_441 : vector<35x1xf32>
    %abs3A_461 = math.absf %sub3A_460 : vector<35x1xf32>
    %min3A_462 = arith.minimumf %abs3A_443, %abs3A_445 : vector<35x1xf32>
    %max3A_463 = arith.maximumf %abs3A_443, %abs3A_445 : vector<35x1xf32>
    %min3A_464 = arith.minimumf %abs3A_447, %abs3A_449 : vector<35x1xf32>
    %max3A_465 = arith.maximumf %abs3A_447, %abs3A_449 : vector<35x1xf32>
    %min3A_466 = arith.minimumf %abs3A_451, %abs3A_453 : vector<35x1xf32>
    %max3A_467 = arith.maximumf %abs3A_451, %abs3A_453 : vector<35x1xf32>
    %min3A_468 = arith.minimumf %abs3A_455, %abs3A_457 : vector<35x1xf32>
    %max3A_469 = arith.maximumf %abs3A_455, %abs3A_457 : vector<35x1xf32>
    %min3A_470 = arith.minimumf %abs3A_459, %abs3A_461 : vector<35x1xf32>
    %max3A_471 = arith.maximumf %abs3A_459, %abs3A_461 : vector<35x1xf32>
    %min3A_472 = arith.minimumf %max3A_463, %min3A_464 : vector<35x1xf32>
    %max3A_473 = arith.maximumf %max3A_463, %min3A_464 : vector<35x1xf32>
    %min3A_474 = arith.minimumf %max3A_465, %min3A_466 : vector<35x1xf32>
    %max3A_475 = arith.maximumf %max3A_465, %min3A_466 : vector<35x1xf32>
    %min3A_476 = arith.minimumf %max3A_467, %min3A_468 : vector<35x1xf32>
    %max3A_477 = arith.maximumf %max3A_467, %min3A_468 : vector<35x1xf32>
    %min3A_478 = arith.minimumf %max3A_469, %min3A_470 : vector<35x1xf32>
    %max3A_479 = arith.maximumf %max3A_469, %min3A_470 : vector<35x1xf32>
    %min3A_480 = arith.minimumf %min3A_462, %min3A_472 : vector<35x1xf32>
    %max3A_481 = arith.maximumf %min3A_462, %min3A_472 : vector<35x1xf32>
    %min3A_482 = arith.minimumf %max3A_473, %min3A_474 : vector<35x1xf32>
    %max3A_483 = arith.maximumf %max3A_473, %min3A_474 : vector<35x1xf32>
    %min3A_484 = arith.minimumf %max3A_475, %min3A_476 : vector<35x1xf32>
    %max3A_485 = arith.maximumf %max3A_475, %min3A_476 : vector<35x1xf32>
    %min3A_486 = arith.minimumf %max3A_477, %min3A_478 : vector<35x1xf32>
    %max3A_487 = arith.maximumf %max3A_477, %min3A_478 : vector<35x1xf32>
    %min3A_488 = arith.minimumf %max3A_479, %max3A_471 : vector<35x1xf32>
    %max3A_489 = arith.maximumf %max3A_479, %max3A_471 : vector<35x1xf32>
    %min3A_490 = arith.minimumf %max3A_481, %min3A_482 : vector<35x1xf32>
    %max3A_491 = arith.maximumf %max3A_481, %min3A_482 : vector<35x1xf32>
    %min3A_492 = arith.minimumf %max3A_483, %min3A_484 : vector<35x1xf32>
    %max3A_493 = arith.maximumf %max3A_483, %min3A_484 : vector<35x1xf32>
    %min3A_494 = arith.minimumf %max3A_485, %min3A_486 : vector<35x1xf32>
    %max3A_495 = arith.maximumf %max3A_485, %min3A_486 : vector<35x1xf32>
    %min3A_496 = arith.minimumf %max3A_487, %min3A_488 : vector<35x1xf32>
    %max3A_497 = arith.maximumf %max3A_487, %min3A_488 : vector<35x1xf32>
    %min3A_498 = arith.minimumf %min3A_480, %min3A_490 : vector<35x1xf32>
    %max3A_499 = arith.maximumf %min3A_480, %min3A_490 : vector<35x1xf32>
    %min3A_500 = arith.minimumf %max3A_491, %min3A_492 : vector<35x1xf32>
    %max3A_501 = arith.maximumf %max3A_491, %min3A_492 : vector<35x1xf32>
    %min3A_502 = arith.minimumf %max3A_493, %min3A_494 : vector<35x1xf32>
    %max3A_503 = arith.maximumf %max3A_493, %min3A_494 : vector<35x1xf32>
    %min3A_504 = arith.minimumf %max3A_495, %min3A_496 : vector<35x1xf32>
    %max3A_505 = arith.maximumf %max3A_495, %min3A_496 : vector<35x1xf32>
    %min3A_506 = arith.minimumf %max3A_497, %max3A_489 : vector<35x1xf32>
    %max3A_507 = arith.maximumf %max3A_497, %max3A_489 : vector<35x1xf32>
    %min3A_508 = arith.minimumf %max3A_499, %min3A_500 : vector<35x1xf32>
    %max3A_509 = arith.maximumf %max3A_499, %min3A_500 : vector<35x1xf32>
    %min3A_510 = arith.minimumf %max3A_501, %min3A_502 : vector<35x1xf32>
    %max3A_511 = arith.maximumf %max3A_501, %min3A_502 : vector<35x1xf32>
    %min3A_512 = arith.minimumf %max3A_503, %min3A_504 : vector<35x1xf32>
    %max3A_513 = arith.maximumf %max3A_503, %min3A_504 : vector<35x1xf32>
    %min3A_514 = arith.minimumf %max3A_505, %min3A_506 : vector<35x1xf32>
    %max3A_515 = arith.maximumf %max3A_505, %min3A_506 : vector<35x1xf32>
    %max3A_516 = arith.maximumf %min3A_498, %min3A_508 : vector<35x1xf32>
    %min3A_517 = arith.minimumf %max3A_509, %min3A_510 : vector<35x1xf32>
    %max3A_518 = arith.maximumf %max3A_509, %min3A_510 : vector<35x1xf32>
    %min3A_519 = arith.minimumf %max3A_511, %min3A_512 : vector<35x1xf32>
    %max3A_520 = arith.maximumf %max3A_511, %min3A_512 : vector<35x1xf32>
    %min3A_521 = arith.minimumf %max3A_513, %min3A_514 : vector<35x1xf32>
    %max3A_522 = arith.maximumf %max3A_513, %min3A_514 : vector<35x1xf32>
    %min3A_523 = arith.minimumf %max3A_515, %max3A_507 : vector<35x1xf32>
    %max3A_524 = arith.maximumf %max3A_516, %min3A_517 : vector<35x1xf32>
    %min3A_525 = arith.minimumf %max3A_518, %min3A_519 : vector<35x1xf32>
    %max3A_526 = arith.maximumf %max3A_518, %min3A_519 : vector<35x1xf32>
    %min3A_527 = arith.minimumf %max3A_520, %min3A_521 : vector<35x1xf32>
    %max3A_528 = arith.maximumf %max3A_520, %min3A_521 : vector<35x1xf32>
    %min3A_529 = arith.minimumf %max3A_522, %min3A_523 : vector<35x1xf32>
    %max3A_530 = arith.maximumf %max3A_524, %min3A_525 : vector<35x1xf32>
    %min3A_531 = arith.minimumf %max3A_526, %min3A_527 : vector<35x1xf32>
    %max3A_532 = arith.maximumf %max3A_526, %min3A_527 : vector<35x1xf32>
    %min3A_533 = arith.minimumf %max3A_528, %min3A_529 : vector<35x1xf32>
    %max3A_534 = arith.maximumf %max3A_530, %min3A_531 : vector<35x1xf32>
    %min3A_535 = arith.minimumf %max3A_532, %min3A_533 : vector<35x1xf32>
    %add3A_536 = arith.addf %max3A_534, %min3A_535 : vector<35x1xf32>
    %mul3A_537 = arith.constant 5.000000e-01 : f32
    %mul3A_538 = vector.broadcast %mul3A_537 : f32 to vector<35x1xf32>
    %mul3A_539 = arith.mulf %mul3A_538, %add3A_536 : vector<35x1xf32>
    %eq3A_540 = arith.constant 0.000000e+00 : f32
    %eq3A_541 = vector.broadcast %eq3A_540 : f32 to vector<35x1xf32>
    %eq3A_542 = arith.cmpf oeq, %mul3A_539, %eq3A_541 : vector<35x1xf32>
    %jit3A_543 = arith.constant 1.000000e+00 : f32
    %broadcast_in_dim3A_544 = vector.broadcast %jit3A_543 : f32 to vector<35x1xf32>
    %select_n3A_545 = arith.select %eq3A_542, %broadcast_in_dim3A_544, %mul3A_539 : vector<35x1xi1>, vector<35x1xf32>
    %mul3A_546 = arith.constant 0.674499988 : f32
    %mul3A_547 = vector.broadcast %mul3A_546 : f32 to vector<35x1xf32>
    %mul3A_548 = arith.mulf %mul3A_547, %abs3A_443 : vector<35x1xf32>
    %div3A_549 = arith.divf %mul3A_548, %select_n3A_545 : vector<35x1xf32>
    %gt3A_550 = arith.constant 2.000000e+00 : f32
    %gt3A_551 = vector.broadcast %gt3A_550 : f32 to vector<35x1xf32>
    %gt3A_552 = arith.cmpf ogt, %div3A_549, %gt3A_551 : vector<35x1xf32>
    %jit3A_553 = arith.constant 1.000000e+00 : f32
    %jit3A_554 = arith.constant 0.000000e+00 : f32
    %broadcast_in_dim3A_555 = vector.broadcast %jit3A_553 : f32 to vector<35x1xf32>
    %broadcast_in_dim3A_556 = vector.broadcast %jit3A_554 : f32 to vector<35x1xf32>
    %select_n3A_557 = arith.select %gt3A_552, %broadcast_in_dim3A_555, %broadcast_in_dim3A_556 : vector<35x1xi1>, vector<35x1xf32>
    %eq3A_558 = arith.constant 0.000000e+00 : f32
    %eq3A_559 = vector.broadcast %eq3A_558 : f32 to vector<35x1xf32>
    %eq3A_560 = arith.cmpf oeq, %mul3A_539, %eq3A_559 : vector<35x1xf32>
    %jit3A_561 = arith.constant 0.000000e+00 : f32
    %broadcast_in_dim3A_562 = vector.broadcast %jit3A_561 : f32 to vector<35x1xf32>
    %select_n3A_563 = arith.select %eq3A_560, %broadcast_in_dim3A_562, %select_n3A_557 : vector<35x1xi1>, vector<35x1xf32>
    %sub3A_564 = arith.constant 1.000000e+00 : f32
    %sub3A_565 = vector.broadcast %sub3A_564 : f32 to vector<35x1xf32>
    %sub3A_566 = arith.subf %sub3A_565, %select_n3A_563 : vector<35x1xf32>
    %mul3A_567 = arith.mulf %sub3A_363, %sub3A_566 : vector<35x1xf32>
    %slice3A_568 = vector.extract_strided_slice %convert_element_type3A_60 {offsets = [3, 0], sizes = [35, 1], strides = [1, 1]} : vector<48x1xi32> to vector<35x1xi32>
    %convert_element_type3A_569 = arith.sitofp %slice3A_568 : vector<35x1xi32> to vector<35x1xf32>
    %slice3A_570 = vector.extract_strided_slice %convert_element_type3A_142 {offsets = [3, 0], sizes = [35, 1], strides = [1, 1]} : vector<48x1xi32> to vector<35x1xi32>
    %convert_element_type3A_571 = arith.sitofp %slice3A_570 : vector<35x1xi32> to vector<35x1xf32>
    %concatenate3A_572 = tpu.concatenate %mul3A_567, %convert_element_type3A_569, %convert_element_type3A_571 in 1 : vector<35x1xf32>, vector<35x1xf32>, vector<35x1xf32> -> vector<35x3xf32>
    %reshape3A = vector.shape_cast %concatenate3A_572 : vector<35x3xf32> to vector<1x35x3xf32>
    %swap3A = arith.constant 0 : index
    %swap3A_573 = arith.constant 0 : index
    %swap3A_574 = arith.constant 0 : index
    %swap3A_575 = vector.load %arg3[%swap3A, %swap3A_573, %swap3A_574] : memref<1x35x3xf32, #tpu.memory_space<vmem>>, vector<1x35x3xf32>
    tpu.vector_store %arg3[%swap3A, %swap3A_573, %swap3A_574], %reshape3A {strides = array<i32>} : memref<1x35x3xf32, #tpu.memory_space<vmem>>, vector<1x35x3xf32>,
    return
  }
  func.func @transform_0(%arg0: i32) -> (i32, i32, i32) {
    %c0_i32 = arith.constant 0 : i32
    %c0_i32_0 = arith.constant 0 : i32
    %c0_i32_1 = arith.constant 0 : i32
    return %arg0, %c0_i32, %c0_i32_0 : i32, i32, i32
  }
  func.func @transform_1(%arg0: i32) -> (i32, i32, i32) {
    %c0_i32 = arith.constant 0 : i32
    %c0_i32_0 = arith.constant 0 : i32
    %c0_i32_1 = arith.constant 0 : i32
    return %arg0, %c0_i32, %c0_i32_0 : i32, i32, i32
  }
  func.func @transform_2(%arg0: i32) -> (i32, i32, i32) {
    %c0_i32 = arith.constant 0 : i32
    %c0_i32_0 = arith.constant 0 : i32
    %c0_i32_1 = arith.constant 0 : i32
    return %arg0, %c0_i32, %c0_i32_0 : i32, i32, i32
  }
}

module attributes {stable_mosaic.version = 14 : i64} {
  func.func @_ev_body(%arg0: i32, %arg1: i32, %arg2: memref<1x7168x1xf32, #tpu.memory_space<vmem>>, %arg3: memref<1x56x128xf32, #tpu.memory_space<vmem>>, %arg4: memref<1x56x128xf32, #tpu.memory_space<vmem>>, %arg5: memref<1x1x1xf32, #tpu.memory_space<vmem>>, %arg6: memref<1x1x7x3xf32, #tpu.memory_space<vmem>>, %arg7: memref<1x30xf32, #tpu.memory_space<vmem>>, %arg8: memref<1x30xf32, #tpu.memory_space<vmem>>, %arg9: memref<30x30xf32, #tpu.memory_space<vmem>>, %arg10: memref<1x30xf32, #tpu.memory_space<vmem>>, %arg11: memref<30x1xf32, #tpu.memory_space<vmem>>, %arg12: memref<1x1xf32, #tpu.memory_space<vmem>>, %arg13: memref<1x56x128xi32, #tpu.memory_space<vmem>>, %arg14: memref<1x7168x1xf32, #tpu.memory_space<vmem>>) attributes {dimension_semantics = [#tpu.dimension_semantics<arbitrary>, #tpu.dimension_semantics<arbitrary>], iteration_bounds = array<i64: 4, 5>, scalar_prefetch = 0 : i64, scratch_operands = 0 : i64, tpu.core_type = #tpu.core_type<tc>, window_params = [{transform_indices = @transform_0, window_bounds = array<i64: 1, 7168, 1>}, {transform_indices = @transform_1, window_bounds = array<i64: 1, 56, 128>}, {transform_indices = @transform_2, window_bounds = array<i64: 1, 56, 128>}, {transform_indices = @transform_3, window_bounds = array<i64: 1, 1, 1>}, {transform_indices = @transform_4, window_bounds = array<i64: 1, 1, 7, 3>}, {pipeline_mode = #tpu.pipeline_mode<synchronous>, transform_indices = @transform_5, window_bounds = array<i64: 1, 30>}, {pipeline_mode = #tpu.pipeline_mode<synchronous>, transform_indices = @transform_6, window_bounds = array<i64: 1, 30>}, {pipeline_mode = #tpu.pipeline_mode<synchronous>, transform_indices = @transform_7, window_bounds = array<i64: 30, 30>}, {pipeline_mode = #tpu.pipeline_mode<synchronous>, transform_indices = @transform_8, window_bounds = array<i64: 1, 30>}, {pipeline_mode = #tpu.pipeline_mode<synchronous>, transform_indices = @transform_9, window_bounds = array<i64: 30, 1>}, {pipeline_mode = #tpu.pipeline_mode<synchronous>, transform_indices = @transform_10, window_bounds = array<i64: 1, 1>}, {transform_indices = @transform_11, window_bounds = array<i64: 1, 56, 128>}, {transform_indices = @transform_12, window_bounds = array<i64: 1, 7168, 1>}]} {
    %get3A = arith.constant 0 : index
    %get3A_0 = arith.constant 0 : index
    %get3A_1 = arith.constant 0 : index
    %get3A_2 = vector.load %arg2[%get3A, %get3A_0, %get3A_1] : memref<1x7168x1xf32, #tpu.memory_space<vmem>>, vector<1x7168x1xf32>
    %get3A_3 = vector.shape_cast %get3A_2 : vector<1x7168x1xf32> to vector<7168x1xf32>
    %get3A_4 = arith.constant 0 : index
    %get3A_5 = arith.constant 0 : index
    %get3A_6 = arith.constant 0 : index
    %get3A_7 = vector.load %arg5[%get3A_4, %get3A_5, %get3A_6] : memref<1x1x1xf32, #tpu.memory_space<vmem>>, vector<1x1x1xf32>
    %get3A_8 = vector.shape_cast %get3A_7 : vector<1x1x1xf32> to vector<1x1xf32>
    %div3A = vector.broadcast %get3A_8 : vector<1x1xf32> to vector<7168x1xf32>
    %div3A_9 = arith.divf %get3A_3, %div3A : vector<7168x1xf32>
    %iota3A = tpu.iota {dimensions = array<i32: 0>} : vector<7x1x1xi32>
    %mul3A = arith.constant 7 : i32
    %mul3A_10 = arith.muli %arg1, %mul3A : i32
    %add3A = vector.broadcast %mul3A_10 : i32 to vector<7x1x1xi32>
    %add3A_11 = arith.addi %iota3A, %add3A : vector<7x1x1xi32>
    %add3A_12 = arith.constant 3 : i32
    %add3A_13 = vector.broadcast %add3A_12 : i32 to vector<7x1x1xi32>
    %add3A_14 = arith.addi %add3A_11, %add3A_13 : vector<7x1x1xi32>
    %convert_element_type3A = arith.sitofp %add3A_14 : vector<7x1x1xi32> to vector<7x1x1xf32>
    %div3A_15 = arith.constant 3.700000e+01 : f32
    %div3A_16 = vector.broadcast %div3A_15 : f32 to vector<7x1x1xf32>
    %div3A_17 = arith.divf %convert_element_type3A, %div3A_16 : vector<7x1x1xf32>
    %broadcast_in_dim3A = vector.shape_cast %div3A_17 : vector<7x1x1xf32> to vector<7x1x1xf32>
    %broadcast_in_dim3A_18 = vector.broadcast %broadcast_in_dim3A : vector<7x1x1xf32> to vector<7x1024x1xf32>
    %reshape3A = vector.shape_cast %broadcast_in_dim3A_18 : vector<7x1024x1xf32> to vector<7168x1xf32>
    %sub3A = arith.subf %div3A_9, %reshape3A : vector<7168x1xf32>
    %get3A_19 = arith.constant 0 : index
    %get3A_20 = arith.constant 0 : index
    %get3A_21 = vector.load %arg7[%get3A_19, %get3A_20] : memref<1x30xf32, #tpu.memory_space<vmem>>, vector<1x30xf32>
    %mul3A_22 = vector.broadcast %sub3A : vector<7168x1xf32> to vector<7168x30xf32>
    %mul3A_23 = vector.broadcast %get3A_21 : vector<1x30xf32> to vector<7168x30xf32>
    %mul3A_24 = arith.mulf %mul3A_22, %mul3A_23 : vector<7168x30xf32>
    %get3A_25 = arith.constant 0 : index
    %get3A_26 = arith.constant 0 : index
    %get3A_27 = vector.load %arg8[%get3A_25, %get3A_26] : memref<1x30xf32, #tpu.memory_space<vmem>>, vector<1x30xf32>
    %add3A_28 = vector.broadcast %get3A_27 : vector<1x30xf32> to vector<7168x30xf32>
    %add3A_29 = arith.addf %mul3A_24, %add3A_28 : vector<7168x30xf32>
    %ge3A = arith.constant 0.000000e+00 : f32
    %ge3A_30 = vector.broadcast %ge3A : f32 to vector<7168x30xf32>
    %ge3A_31 = arith.cmpf oge, %add3A_29, %ge3A_30 : vector<7168x30xf32>
    %mul3A_32 = arith.constant 1.000000e-01 : f32
    %mul3A_33 = vector.broadcast %mul3A_32 : f32 to vector<7168x30xf32>
    %mul3A_34 = arith.mulf %mul3A_33, %add3A_29 : vector<7168x30xf32>
    %select_n3A = arith.select %ge3A_31, %add3A_29, %mul3A_34 : vector<7168x30xi1>, vector<7168x30xf32>
    %convert_element_type3A_35 = arith.truncf %select_n3A : vector<7168x30xf32> to vector<7168x30xbf16>
    %get3A_36 = arith.constant 0 : index
    %get3A_37 = arith.constant 0 : index
    %get3A_38 = vector.load %arg9[%get3A_36, %get3A_37] : memref<30x30xf32, #tpu.memory_space<vmem>>, vector<30x30xf32>
    %convert_element_type3A_39 = arith.truncf %get3A_38 : vector<30x30xf32> to vector<30x30xbf16>
    %dot_general3A = arith.constant dense<0.000000e+00> : vector<7168x30xf32>
    %dot_general3A_40 = tpu.matmul %convert_element_type3A_35, %convert_element_type3A_39, %dot_general3A {dimension_numbers = #tpu.dot_dimension_numbers<[1], [0], [0], [1], [0, 0, 1, 1], [], []>, transpose_lhs_hint = false} : vector<7168x30xbf16>, vector<30x30xbf16>, vector<7168x30xf32> -> vector<7168x30xf32>
    %get3A_41 = arith.constant 0 : index
    %get3A_42 = arith.constant 0 : index
    %get3A_43 = vector.load %arg10[%get3A_41, %get3A_42] : memref<1x30xf32, #tpu.memory_space<vmem>>, vector<1x30xf32>
    %add3A_44 = vector.broadcast %get3A_43 : vector<1x30xf32> to vector<7168x30xf32>
    %add3A_45 = arith.addf %dot_general3A_40, %add3A_44 : vector<7168x30xf32>
    %ge3A_46 = arith.constant 0.000000e+00 : f32
    %ge3A_47 = vector.broadcast %ge3A_46 : f32 to vector<7168x30xf32>
    %ge3A_48 = arith.cmpf oge, %add3A_45, %ge3A_47 : vector<7168x30xf32>
    %mul3A_49 = arith.constant 1.000000e-01 : f32
    %mul3A_50 = vector.broadcast %mul3A_49 : f32 to vector<7168x30xf32>
    %mul3A_51 = arith.mulf %mul3A_50, %add3A_45 : vector<7168x30xf32>
    %select_n3A_52 = arith.select %ge3A_48, %add3A_45, %mul3A_51 : vector<7168x30xi1>, vector<7168x30xf32>
    %convert_element_type3A_53 = arith.truncf %select_n3A_52 : vector<7168x30xf32> to vector<7168x30xbf16>
    %get3A_54 = arith.constant 0 : index
    %get3A_55 = arith.constant 0 : index
    %get3A_56 = vector.load %arg11[%get3A_54, %get3A_55] : memref<30x1xf32, #tpu.memory_space<vmem>>, vector<30x1xf32>
    %convert_element_type3A_57 = arith.truncf %get3A_56 : vector<30x1xf32> to vector<30x1xbf16>
    %dot_general3A_58 = arith.constant dense<0.000000e+00> : vector<7168x1xf32>
    %dot_general3A_59 = tpu.matmul %convert_element_type3A_53, %convert_element_type3A_57, %dot_general3A_58 {dimension_numbers = #tpu.dot_dimension_numbers<[1], [0], [0], [1], [0, 0, 1, 1], [], []>, transpose_lhs_hint = false} : vector<7168x30xbf16>, vector<30x1xbf16>, vector<7168x1xf32> -> vector<7168x1xf32>
    %get3A_60 = arith.constant 0 : index
    %get3A_61 = arith.constant 0 : index
    %get3A_62 = vector.load %arg12[%get3A_60, %get3A_61] : memref<1x1xf32, #tpu.memory_space<vmem>>, vector<1x1xf32>
    %add3A_63 = vector.broadcast %get3A_62 : vector<1x1xf32> to vector<7168x1xf32>
    %add3A_64 = arith.addf %dot_general3A_59, %add3A_63 : vector<7168x1xf32>
    %get3A_65 = arith.constant 0 : index
    %get3A_66 = arith.constant 0 : index
    %get3A_67 = arith.constant 0 : index
    %get3A_68 = arith.constant 0 : index
    %get3A_69 = vector.load %arg6[%get3A_65, %get3A_66, %get3A_67, %get3A_68] : memref<1x1x7x3xf32, #tpu.memory_space<vmem>>, vector<1x1x7x3xf32>
    %get3A_70 = vector.shape_cast %get3A_69 : vector<1x1x7x3xf32> to vector<7x3xf32>
    %slice3A = vector.extract_strided_slice %get3A_70 {offsets = [0, 0], sizes = [7, 1], strides = [1, 1]} : vector<7x3xf32> to vector<7x1xf32>
    %reshape3A_71 = vector.shape_cast %slice3A : vector<7x1xf32> to vector<7x1x1xf32>
    %broadcast_in_dim3A_72 = vector.shape_cast %reshape3A_71 : vector<7x1x1xf32> to vector<7x1x1xf32>
    %broadcast_in_dim3A_73 = vector.broadcast %broadcast_in_dim3A_72 : vector<7x1x1xf32> to vector<7x1024x1xf32>
    %reshape3A_74 = vector.shape_cast %broadcast_in_dim3A_73 : vector<7x1024x1xf32> to vector<7168x1xf32>
    %mul3A_75 = arith.mulf %div3A_9, %add3A_64 : vector<7168x1xf32>
    %mul3A_76 = arith.mulf %mul3A_75, %reshape3A_74 : vector<7168x1xf32>
    %reshape3A_77 = vector.shape_cast %mul3A_76 : vector<7168x1xf32> to vector<1x7168x1xf32>
    %swap3A = arith.constant 0 : index
    %swap3A_78 = arith.constant 0 : index
    %swap3A_79 = arith.constant 0 : index
    %swap3A_80 = vector.load %arg14[%swap3A, %swap3A_78, %swap3A_79] : memref<1x7168x1xf32, #tpu.memory_space<vmem>>, vector<1x7168x1xf32>
    tpu.vector_store %arg14[%swap3A, %swap3A_78, %swap3A_79], %reshape3A_77 {strides = array<i32>} : memref<1x7168x1xf32, #tpu.memory_space<vmem>>, vector<1x7168x1xf32>,
    %get3A_81 = arith.constant 0 : index
    %get3A_82 = arith.constant 0 : index
    %get3A_83 = arith.constant 0 : index
    %get3A_84 = vector.load %arg3[%get3A_81, %get3A_82, %get3A_83] : memref<1x56x128xf32, #tpu.memory_space<vmem>>, vector<1x56x128xf32>
    %get3A_85 = vector.shape_cast %get3A_84 : vector<1x56x128xf32> to vector<56x128xf32>
    %convert_element_type3A_86 = arith.fptosi %get3A_85 : vector<56x128xf32> to vector<56x128xi32>
    %slice3A_87 = vector.extract_strided_slice %get3A_70 {offsets = [0, 1], sizes = [7, 1], strides = [1, 1]} : vector<7x3xf32> to vector<7x1xf32>
    %reshape3A_88 = vector.shape_cast %slice3A_87 : vector<7x1xf32> to vector<7x1x1xf32>
    %convert_element_type3A_89 = arith.fptosi %reshape3A_88 : vector<7x1x1xf32> to vector<7x1x1xi32>
    %broadcast_in_dim3A_90 = vector.shape_cast %convert_element_type3A_89 : vector<7x1x1xi32> to vector<7x1x1xi32>
    %broadcast_in_dim3A_91 = vector.broadcast %broadcast_in_dim3A_90 : vector<7x1x1xi32> to vector<7x8x128xi32>
    %reshape3A_92 = vector.shape_cast %broadcast_in_dim3A_91 : vector<7x8x128xi32> to vector<56x128xi32>
    %sub3A_93 = arith.subi %convert_element_type3A_86, %reshape3A_92 : vector<56x128xi32>
    %jit3A = arith.constant 0 : i32
    %jit3A_94 = arith.constant 239 : i32
    %max3A = vector.broadcast %jit3A : i32 to vector<56x128xi32>
    %max3A_95 = arith.maxsi %max3A, %sub3A_93 : vector<56x128xi32>
    %min3A = vector.broadcast %jit3A_94 : i32 to vector<56x128xi32>
    %min3A_96 = arith.minsi %min3A, %max3A_95 : vector<56x128xi32>
    %get3A_97 = arith.constant 0 : index
    %get3A_98 = arith.constant 0 : index
    %get3A_99 = arith.constant 0 : index
    %get3A_100 = vector.load %arg4[%get3A_97, %get3A_98, %get3A_99] : memref<1x56x128xf32, #tpu.memory_space<vmem>>, vector<1x56x128xf32>
    %get3A_101 = vector.shape_cast %get3A_100 : vector<1x56x128xf32> to vector<56x128xf32>
    %convert_element_type3A_102 = arith.fptosi %get3A_101 : vector<56x128xf32> to vector<56x128xi32>
    %slice3A_103 = vector.extract_strided_slice %get3A_70 {offsets = [0, 2], sizes = [7, 1], strides = [1, 1]} : vector<7x3xf32> to vector<7x1xf32>
    %reshape3A_104 = vector.shape_cast %slice3A_103 : vector<7x1xf32> to vector<7x1x1xf32>
    %convert_element_type3A_105 = arith.fptosi %reshape3A_104 : vector<7x1x1xf32> to vector<7x1x1xi32>
    %broadcast_in_dim3A_106 = vector.shape_cast %convert_element_type3A_105 : vector<7x1x1xi32> to vector<7x1x1xi32>
    %broadcast_in_dim3A_107 = vector.broadcast %broadcast_in_dim3A_106 : vector<7x1x1xi32> to vector<7x8x128xi32>
    %reshape3A_108 = vector.shape_cast %broadcast_in_dim3A_107 : vector<7x8x128xi32> to vector<56x128xi32>
    %sub3A_109 = arith.subi %convert_element_type3A_102, %reshape3A_108 : vector<56x128xi32>
    %jit3A_110 = arith.constant 0 : i32
    %jit3A_111 = arith.constant 179 : i32
    %max3A_112 = vector.broadcast %jit3A_110 : i32 to vector<56x128xi32>
    %max3A_113 = arith.maxsi %max3A_112, %sub3A_109 : vector<56x128xi32>
    %min3A_114 = vector.broadcast %jit3A_111 : i32 to vector<56x128xi32>
    %min3A_115 = arith.minsi %min3A_114, %max3A_113 : vector<56x128xi32>
    %rem3A = arith.constant 2 : i32
    %rem3A_116 = arith.remsi %arg0, %rem3A : i32
    %mul3A_117 = arith.constant 240 : i32
    %mul3A_118 = vector.broadcast %mul3A_117 : i32 to vector<56x128xi32>
    %mul3A_119 = arith.muli %mul3A_118, %min3A_115 : vector<56x128xi32>
    %add3A_120 = arith.addi %min3A_96, %mul3A_119 : vector<56x128xi32>
    %mul3A_121 = arith.constant 43200 : i32
    %mul3A_122 = arith.muli %rem3A_116, %mul3A_121 : i32
    %add3A_123 = vector.broadcast %mul3A_122 : i32 to vector<56x128xi32>
    %add3A_124 = arith.addi %add3A_120, %add3A_123 : vector<56x128xi32>
    %reshape3A_125 = vector.shape_cast %add3A_124 : vector<56x128xi32> to vector<1x56x128xi32>
    %swap3A_126 = arith.constant 0 : index
    %swap3A_127 = arith.constant 0 : index
    %swap3A_128 = arith.constant 0 : index
    %swap3A_129 = vector.load %arg13[%swap3A_126, %swap3A_127, %swap3A_128] : memref<1x56x128xi32, #tpu.memory_space<vmem>>, vector<1x56x128xi32>
    tpu.vector_store %arg13[%swap3A_126, %swap3A_127, %swap3A_128], %reshape3A_125 {strides = array<i32>} : memref<1x56x128xi32, #tpu.memory_space<vmem>>, vector<1x56x128xi32>,
    return
  }
  func.func @transform_0(%arg0: i32, %arg1: i32) -> (i32, i32, i32) {
    %c0_i32 = arith.constant 0 : i32
    %c0_i32_0 = arith.constant 0 : i32
    return %arg0, %arg1, %c0_i32 : i32, i32, i32
  }
  func.func @transform_1(%arg0: i32, %arg1: i32) -> (i32, i32, i32) {
    %c0_i32 = arith.constant 0 : i32
    %c0_i32_0 = arith.constant 0 : i32
    return %arg0, %arg1, %c0_i32 : i32, i32, i32
  }
  func.func @transform_2(%arg0: i32, %arg1: i32) -> (i32, i32, i32) {
    %c0_i32 = arith.constant 0 : i32
    %c0_i32_0 = arith.constant 0 : i32
    return %arg0, %arg1, %c0_i32 : i32, i32, i32
  }
  func.func @transform_3(%arg0: i32, %arg1: i32) -> (i32, i32, i32) {
    %c0_i32 = arith.constant 0 : i32
    %c0_i32_0 = arith.constant 0 : i32
    %c0_i32_1 = arith.constant 0 : i32
    return %arg0, %c0_i32, %c0_i32_0 : i32, i32, i32
  }
  func.func @transform_4(%arg0: i32, %arg1: i32) -> (i32, i32, i32, i32) {
    %c0_i32 = arith.constant 0 : i32
    %c0_i32_0 = arith.constant 0 : i32
    %c0_i32_1 = arith.constant 0 : i32
    return %arg0, %arg1, %c0_i32, %c0_i32_0 : i32, i32, i32, i32
  }
  func.func @transform_5(%arg0: i32, %arg1: i32) -> (i32, i32) {
    %c0_i32 = arith.constant 0 : i32
    %c0_i32_0 = arith.constant 0 : i32
    %c0_i32_1 = arith.constant 0 : i32
    return %c0_i32, %c0_i32_0 : i32, i32
  }
  func.func @transform_6(%arg0: i32, %arg1: i32) -> (i32, i32) {
    %c0_i32 = arith.constant 0 : i32
    %c0_i32_0 = arith.constant 0 : i32
    %c0_i32_1 = arith.constant 0 : i32
    return %c0_i32, %c0_i32_0 : i32, i32
  }
  func.func @transform_7(%arg0: i32, %arg1: i32) -> (i32, i32) {
    %c0_i32 = arith.constant 0 : i32
    %c0_i32_0 = arith.constant 0 : i32
    %c0_i32_1 = arith.constant 0 : i32
    return %c0_i32, %c0_i32_0 : i32, i32
  }
  func.func @transform_8(%arg0: i32, %arg1: i32) -> (i32, i32) {
    %c0_i32 = arith.constant 0 : i32
    %c0_i32_0 = arith.constant 0 : i32
    %c0_i32_1 = arith.constant 0 : i32
    return %c0_i32, %c0_i32_0 : i32, i32
  }
  func.func @transform_9(%arg0: i32, %arg1: i32) -> (i32, i32) {
    %c0_i32 = arith.constant 0 : i32
    %c0_i32_0 = arith.constant 0 : i32
    %c0_i32_1 = arith.constant 0 : i32
    return %c0_i32, %c0_i32_0 : i32, i32
  }
  func.func @transform_10(%arg0: i32, %arg1: i32) -> (i32, i32) {
    %c0_i32 = arith.constant 0 : i32
    %c0_i32_0 = arith.constant 0 : i32
    %c0_i32_1 = arith.constant 0 : i32
    return %c0_i32, %c0_i32_0 : i32, i32
  }
  func.func @transform_11(%arg0: i32, %arg1: i32) -> (i32, i32, i32) {
    %c0_i32 = arith.constant 0 : i32
    %c0_i32_0 = arith.constant 0 : i32
    return %arg0, %arg1, %c0_i32 : i32, i32, i32
  }
  func.func @transform_12(%arg0: i32, %arg1: i32) -> (i32, i32, i32) {
    %c0_i32 = arith.constant 0 : i32
    %c0_i32_0 = arith.constant 0 : i32
    return %arg0, %arg1, %c0_i32 : i32, i32, i32
  }
}

</mosaic_0001>

<sc_bundles>
// kernel: kernel.6.cloned.1.call-start
scs
__scs_entry_jumppad:
0x0: {  	(pc) =	sbr.rel $0x88, $3  }
0x1: {  	(tag) =	ssettag $0x0;
	lr =	simm.s32 $0x1  }
0x2: {  	[smem:$0x3F9A] =	sst lr;
	_ =	strace $0xD0000000  }
0x3: {  	_ = 	snop  }
0x4: {  	_ = 	snop  }
0x5: {  	_ = 	snop  }
0x6: {  	_ = 	snop  }
0x7: {  	_ = 	snop  }
__scs_overlays_trampoline_lowered:
0x8: {  	[smem:$0x3FA9] =	sst s0  }
0x9: {  	[smem:$0x3FAA] =	sst s1  }
0xa: {  	[smem:$0x3FAB] =	sst s2  }
0xb: {  	[smem:$0x3FAC] =	sst s3  }
0xc: {  	[smem:$0x3FAD] =	sst s4  }
0xd: {  	[smem:$0x3FAE] =	sst s5  }
0xe: {  	[smem:$0x3FAF] =	sst s6  }
0xf: {  	[smem:$0x3FB0] =	sst s7  }
0x10: {  	[smem:$0x3FB1] =	sst s8  }
0x11: {  	[smem:$0x3FB2] =	sst s9;
	s0 =	simm.s32 @!p0 $0x0  }
0x12: {  	s1 =	sld [smem:$0x3F98];
	s0 =	simm.s32 @p0 $0x1  }
0x13: {  	[smem:$0x3FB3] =	sst s0;
	s0 =	simm.s32 @!p1 $0x0  }
0x14: {  	s2 =	sld [smem:$0x3F97];
	s0 =	simm.s32 @p1 $0x1  }
0x15: {  	[smem:$0x3FB4] =	sst s0;
	s0 =	simm.s32 @!p2 $0x0  }
0x16: {  	s3 =	sld [smem:$0x3FDB];
	s0 =	simm.s32 @p2 $0x1  }
0x17: {  	s4 =	simm.s32 $0x1BF5;
	[smem:$0x3FB6] =	sst s0  }
0x18: {  	s0 =	sld [smem:$0x3F99];
	_ =	swait.ge [sflag:s4], $0x0  }
0x19: {  	s7 =	sld [smem:$0x3F9A]  }
0x1a: {  	s8 =	sadd.s32 $0xFFFFE003, lr  }
0x1b: {  	s9 =	sadd.s32 $0xFFFFFEF7, lr;
	s5 =	simm.s32 $0xFFFFFFFF;
	p2 =	slt.u32 s8, $0xFFFFF086  }
0x1c: {  	p1 =	slt.u32 s9, $0xF7A;
	s5 =	simm.s32 @!p2 $0x0  }
0x1d: {  	s5 =	simm.s32 @p1 $0x1;
	p0 =	seq.s32 s7, s2  }
0x1e: {  	s7 =	smul.u32 @!p0 $0xF7A, s2;
	p2 =	seq.s32 @!p0 s5, $0x0  }
0x1f: {  	s9 =	smul.u32 $0xF7A, s1;
	s8 =	simm.s32 @!p0 $0x1BF5;
	p2 =	por !p2, p0  }
0x20: {  	[sflag:s8] =	ssyncset.s32 @!p0 $0xFFFFF086;
	s6 =	sadd.s32 @!p0 s3, s7;
	s7 =	simm.s32 @!p0 $0x108  }
0x21: {  	s3 =	sadd.s32 s3, s9;
	s6 =	sadd.s32 @!p0 $0x88, s6;
	s7 =	simm.s32 @p2 $0x1082  }
0x22: {  	[simem:s7], [sflag:s8] =	dma.local @!p0 [hbm:s6], $0xF7A  }
0x23: {  	s9 =	sor.u32 $0xD0000000, s2;
	s6 =	simm.s32 $0x108;
	_ =	swait.ge @!p0 [sflag:s8], $0x0  }
0x24: {  	s3 =	sadd.s32 $0x88, s3;
	s6 =	simm.s32 @!p1 $0x1082;
	[sflag:s4] =	ssyncset.s32 $0xFFFFF086  }
0x25: {  	[simem:s6], [sflag:s4] =	dma.local [hbm:s3], $0xF7A  }
0x26: {  	[smem:$0x3F9A] =	sst s1;
	(tag) =	ssettag s2;
	_ =	strace s9  }
0x27: {  	s1 =	sld [smem:$0x3FAA]  }
0x28: {  	s2 =	sld [smem:$0x3FAB]  }
0x29: {  	s4 =	sld [smem:$0x3FAD]  }
0x2a: {  	p0 =	seq.s32 s5, $0x0;
	s5 =	sld [smem:$0x3FAE]  }
0x2b: {  	s6 =	sld [smem:$0x3FAF]  }
0x2c: {  	s7 =	sld [smem:$0x3FB0]  }
0x2d: {  	s3 =	simm.s32 $0x108;
	s8 =	sld [smem:$0x3FB1]  }
0x2e: {  	s3 =	simm.s32 @!p0 $0x1082;
	s9 =	sld [smem:$0x3FB2]  }
0x2f: {  	lr =	sadd.s32 s0, s3;
	s0 =	sld [smem:$0x3FA9]  }
0x30: {  	s3 =	sld [smem:$0x3FAC]  }
0x31: {  	[smem:$0x3FB5] =	sst s10  }
0x32: {  	s10 =	sld [smem:$0x3FB3];
	_ =	sdelay $0x3  }
0x33: {  	p0 =	seq.s32 s10, $0x1;
	s10 =	sld [smem:$0x3FB5];
	_ =	sdelay $0x3  }
0x34: {  	[smem:$0x3FB5] =	sst s10  }
0x35: {  	s10 =	sld [smem:$0x3FB4];
	_ =	sdelay $0x3  }
0x36: {  	p1 =	seq.s32 s10, $0x1;
	s10 =	sld [smem:$0x3FB5];
	_ =	sdelay $0x3  }
0x37: {  	[smem:$0x3FB5] =	sst s10  }
0x38: {  	s10 =	sld [smem:$0x3FB6]  }
0x39: {  	_ = 	snop;
	(pc) =	sbr.ind lr, $3  }
0x3a: {  	_ = 	snop  }
0x3b: {  	_ = 	snop  }
0x3c: {  	p2 =	seq.s32 s10, $0x1;
	s10 =	sld [smem:$0x3FB5]  }
0x3d: {  	_ =	shalt  }
0x3e: {  	_ =	shalt  }
0x3f: {  	_ =	shalt  }
0x40: {  	_ =	shalt  }
0x41: {  	_ =	shalt  }
0x42: {  	_ =	shalt  }
0x43: {  	_ =	shalt  }
0x44: {  	_ =	shalt  }
0x45: {  	_ =	shalt  }
0x46: {  	_ =	shalt  }
0x47: {  	_ =	shalt  }
0x48: {  	_ =	shalt  }
0x49: {  	_ =	shalt  }
0x4a: {  	_ =	shalt  }
0x4b: {  	_ =	shalt  }
0x4c: {  	_ =	shalt  }
0x4d: {  	_ =	shalt  }
0x4e: {  	_ =	shalt  }
0x4f: {  	_ =	shalt  }
0x50: {  	_ =	shalt  }
0x51: {  	_ =	shalt  }
0x52: {  	_ =	shalt  }
0x53: {  	_ =	shalt  }
0x54: {  	_ =	shalt  }
0x55: {  	_ =	shalt  }
0x56: {  	_ =	shalt  }
0x57: {  	_ =	shalt  }
0x58: {  	_ =	shalt  }
0x59: {  	_ =	shalt  }
0x5a: {  	_ =	shalt  }
0x5b: {  	_ =	shalt  }
0x5c: {  	_ =	shalt  }
0x5d: {  	_ =	shalt  }
0x5e: {  	_ =	shalt  }
0x5f: {  	_ =	shalt  }
0x60: {  	_ =	shalt  }
0x61: {  	_ =	shalt  }
0x62: {  	_ =	shalt  }
0x63: {  	_ =	shalt  }
0x64: {  	_ =	shalt  }
0x65: {  	_ =	shalt  }
0x66: {  	_ =	shalt  }
0x67: {  	_ =	shalt  }
0x68: {  	_ =	shalt  }
0x69: {  	_ =	shalt  }
0x6a: {  	_ =	shalt  }
0x6b: {  	_ =	shalt  }
0x6c: {  	_ =	shalt  }
0x6d: {  	_ =	shalt  }
0x6e: {  	_ =	shalt  }
0x6f: {  	_ =	shalt  }
0x70: {  	_ =	shalt  }
0x71: {  	_ =	shalt  }
0x72: {  	_ =	shalt  }
0x73: {  	_ =	shalt  }
0x74: {  	_ =	shalt  }
0x75: {  	_ =	shalt  }
0x76: {  	_ =	shalt  }
0x77: {  	_ =	shalt  }
0x78: {  	_ =	shalt  }
0x79: {  	_ =	shalt  }
0x7a: {  	_ =	shalt  }
0x7b: {  	_ =	shalt  }
0x7c: {  	_ =	shalt  }
0x7d: {  	_ =	shalt  }
0x7e: {  	_ =	shalt  }
0x7f: {  	_ =	shalt  }
0x80: {  	_ =	shalt  }
0x81: {  	_ =	shalt  }
0x82: {  	_ =	shalt  }
0x83: {  	_ =	shalt  }
0x84: {  	_ =	shalt  }
0x85: {  	_ =	shalt  }
0x86: {  	_ =	shalt  }
0x87: {  	_ =	shalt  }
.Lfunc_end0:
.L_simem_size_0:
called_computation_lowered:
.L_overlay_start_0:
0x88: {  	s2 =	sld [smem:$0x3FD9]  }
0x89: {  	s3 =	sld [smem:$0x3FFE];
	_ =	sdelay $0x1  }
0x8a: {  	s1 =	srdreg.scid  }
0x8b: {  	s0 =	sand.u32 $0x1, s1  }
0x8c: {  	s17 =	sshll.u32 s0, $0xA;
	s2 =	sadd.s32 s3, s2  }
0x8d: {  	s2 =	sadd.s32 s2, s17  }
0x8e: {  	[smem:$0x3FC1] =	sst s2  }
0x8f: {  	_ = 	snop  }
0x90: {  	s2 =	sld [smem:$0x3FD0];
	(tm) =	ssettm $0x1  }
0x91: {  	s18 =	sld [smem:$0x3FFB];
	_ =	sdelay $0x3  }
0x92: {  	_ =	strace s18  }
0x93: {  	s3 =	sld [smem:$0x3FFC];
	_ =	sdelay $0x3  }
0x94: {  	_ =	strace s3  }
0x95: {  	s3 =	sld [smem:$0x3FFD];
	_ =	sdelay $0x3  }
0x96: {  	_ =	strace s3  }
0x97: {  	_ =	strace $0x8FFFFFFF  }
0x98: {  	s19 =	sld [smem:$0x3FDB];
	_ =	sdelay $0x1  }
0x99: {  	s4 =	simm.s32 $_scs_section_size  }
0x9a: {  	s5 =	simm.s32 $_size__tile_overlayer_lowered;
	s6 =	simm.s32 $_tile_overlayer_lowered  }
0x9b: {  	s22 =	simm.s32 $0x1BFF;
	s21 =	sshll.u32 s6, $0x1;
	s3 =	sadd.s32 s4, s19  }
0x9c: {  	s7 =	simm.s32 $0x0;
	s20 =	sshll.u32 s5, $0x1;
	s5 =	sadd.s32 s21, s3  }
0x9d: {  	[timem:s7], [sflag:s22] =	dma.local [hbm:s5], s20  }
0x9e: {  	_ =	swait.ge [sflag:s22], s20  }
0x9f: {  	s4 =	ssub.s32 $0x0, s20;
	[sflag:s22] =	ssyncset.done $0x0  }
0xa0: {  	[sflag:s22] =	ssyncadd.s32 s4;
	_ =	sdelay $0x1  }
0xa1: {  	s23 =	simm.s32 $0x1B8B  }
0xa2: {  	_ =	swait.ge [sflag:s23], $0x1  }
0xa3: {  	[sflag:s23] =	ssyncset.done $0x0  }
0xa4: {  	s25 =	simm.s32 $0x1B8E;
	s24 =	sld [smem:$0x3FFE];
	[sflag:s23] =	ssyncadd.s32 $0xFFFFFFFF  }
0xa5: {  	s26 =	simm.s32 $execute0_lowered;
	[smem:$0x3FD2] =	sst s25  }
0xa6: {  	s5 =	sshll.u32 s26, $0x1;
	_ =	strace $0x80000046;
	[dreg:$0x1] =	wrdreg $0xFFFFFFFF  }
0xa7: {  	s28 =	simm.s32 $_size_execute0_lowered;
	s3 =	sadd.s32 s3, s5;
	[dreg:$0x0] =	wrdreg $0x0  }
0xa8: {  	s5 =	sshll.u32 s28, $0x1;
	[dreg:$0x2] =	wrdreg s3  }
0xa9: {  	[dreg:$0x3] =	wrdreg s5  }
0xaa: {  	[dreg:$0x4] =	wrdreg $0xC0  }
0xab: {  	_ =	task [dreg:s7], $0x5FFFF  }
0xac: {  	[dreg:$0x1] =	wrdreg $0xFFFFFFFF  }
0xad: {  	[dreg:$0x0] =	wrdreg $0x60  }
0xae: {  	[dreg:$0x2] =	wrdreg s24  }
0xaf: {  	[dreg:$0x3] =	wrdreg s2  }
0xb0: {  	[dreg:$0x4] =	wrdreg $0x9  }
0xb1: {  	_ =	task.clear_ibuf [dreg:s7], $0x5FFFF;
	_ =	strace $0x90000046  }
0xb2: {  	s29 =	simm.s32 $0x9;
	_ =	strace $0x80000048  }
0xb3: {  	_ =	swait.ge [sflag:s29], $0x1  }
0xb4: {  	[sflag:s29] =	ssyncadd.s32 $0xFFFFFFFF  }
0xb5: {  	_ =	strace $0x90000048  }
0xb6: {  	_ =	sfence  }
0xb7: {  	s30 =	sld [smem:$0x0];
	_ =	sdelay $0x2  }
0xb8: {  	s31 =	sshll.u32 s1, $0xD;
	s1 =	sshrl.u32 s1, $0x2  }
0xb9: {  	s3 =	sand.u32 $0x4000, s31;
	s1 =	sadd.s32 s1, s30  }
0xba: {  	s0 =	sor.u32 s3, s0;
	s1 =	sshll.u32 s1, $0x11  }
0xbb: {  	s0 =	sor.u32 s1, s0  }
0xbc: {  	s0 =	sadd.s32 $0x8F2B, s0  }
0xbd: {  	[sflag:s0] =	ssyncadd.remote.s32 $0x1  }
0xbe: {  	_ =	sfence.sel $0xFFFF  }
0xbf: {  	[dreg:$0x0] =	wrdreg $0xFFFFFFFF;
	(pc) =	sbr.abs _section_cstart, $3  }
0xc0: {  	[dreg:$0x1] =	wrdreg $0xFFFFFFFF  }
0xc1: {  	_ =	task.clear_ibuf [dreg:s7], $0x2FFFF;
	_ =	strace $0x9FFFFFFF  }
0xc2: {  	(tm) =	ssettm $0x7FFFFFFF  }
0xc3: {  	_ =	shalt  }
tec
execute0_lowered:
.L_overlay_start_1:
0x0: {  	(tag) =	ssettag $0x1  }
0x1: {  	s0 =	srdreg.scid  }
0x2: {  	s4 =	sand.u32 $0x1, s0  }
0x3: {  	s1 =	stileid.u32;
	s6 =	sshll.u32 s4, $0x4  }
0x4: {  	s6 =	sor.u32 s1, s6  }
0x5: {  	p0 =	sgt.u32 s6, $0x17  }
.Ltmp0:
0x6: {  	_ = 	snop;
	(pc) =	sbr.rel @p0 .LBB2_7-.Ltmp0, $4  }
0x7: {  	s5 =	rddreg [dreg:$0x0]  }
0x8: {  	s3 =	rddreg [dreg:$0x1];
	s2 =	simm.s32 $0x0  }
0x9: {  	[smem:$0x7FF] =	sst s2  }
0xa: {  	s0 =	rddreg [dreg:$0x2];
	_ =	strace $0x80000047  }
0xb: {  	s6 =	sshrl.u32 s6, $0x3;
	s7 =	sshll.u32 s1, $0x7  }
0xc: {  	s5 =	sadd.s32 $0x1400, s5;
	s4 =	ssub.s32 $0x2, s4;
	s7 =	sand.u32 $0x380, s7  }
0xd: {  	s8 =	sshll.u32 s6, $0xF;
	s6 =	sshll.u32 s6, $0x11;
	s9 =	sshrl.u32 s4, $0x1  }
0xe: {  	s8 =	sor.u32 s7, s8;
	s6 =	sor.u32 s7, s6;
	s30 =	ssub.s32 s4, s9  }
0xf: {  	s7 =	simm.s32 $0x400;
	s9 =	simm.s32 $0x4000;
	s8 =	sshrl.u32 s8, $0x3  }
0x10: {  	v1 =	vlaneseq.u32;
	s31 =	sshrl.u32 s6, $0x3;
	s6 =	simm.s32 $0x80;
	s3 =	sadd.s32 s3, s8  }
0x11: {  	v0 =	vimm.f32 $0.0e+00;
	v2 =	vimm.f32 $1.000000000e+00;
	v1 =	vmul.u32 $0x100, v1;
	s4 =	sadd.s32 s5, s31;
	s5 =	smax.u32 s30, $0x1;
	s8 =	simm.s32 $0x1  }
.LBB2_2:
0x12: {  	s10 =	simm.s32 $0x0  }
0x13: {  	[tilespmem:s10], [sflag:$0x1] =	stream.strided.gather [hbm4b:s4+s6], $0x4000, s7, s6, $0x38;
	[tilespmem:$0x5000] =	vst v63  }
0x14: {  	_ =	swait.ge [sflag:s8], $0x4000  }
0x15: {  	[sflag:s8] =	ssyncset.done $0x0  }
0x16: {  	s11 =	simm.s32 $0x0;
	s10 =	simm.s32 $0x40;
	[sflag:s8] =	ssyncadd.s32 $0xFFFFC000  }
.LBB2_3:
0x17: {  	p0 =	sne.s32 s10, $0x3FC0;
	[tilespmem:s11+$0x4000] =	vst v0;
	s11 =	smov.u32 s10;
	s10 =	sadd.s32 $0x40, s10  }
.Ltmp1:
0x18: {  	(pc) =	sbr.rel @p0 .LBB2_3-.Ltmp1, $2  }
0x19: {  	_ =	sdelay $0x2  }
0x1a: {  	s11 =	sshra.s32 s11, $0x2  }
0x1b: {  	[tilespmem:s11+$0x4000] =	vst v0;
	s11 =	simm.s32 $0x0;
	s10 =	simm.s32 $0x40  }
.LBB2_5:
0x1c: {  	p0 =	sne.s32 s10, $0xFFC0;
	v3 =	vld [tilespmem:s11+$0x0];
	_ =	sdelay $0x4  }
0x1d: {  	v3 =	vadd.s32 v1, v3  }
.Ltmp2:
0x1e: {  	(pc) =	sbr.rel @p0 .LBB2_5-.Ltmp2, $2  }
0x1f: {  	_ =	sdelay $0x2  }
0x20: {  	s11 =	sshra.s32 s10, $0x2;
	s10 =	sadd.s32 $0x40, s10;
	[tilespmem:v3+s9+$0x0] =	vst.idx.add.f32.msk $0xffff, v2  }
0x21: {  	v3 =	vld [tilespmem:s11+$0x0];
	_ =	sdelay $0x4  }
0x22: {  	v3 =	vadd.s32 v1, v3;
	_ =	sdelay $0x2  }
0x23: {  	s2 =	sadd.s32 $0x1, s2  }
0x24: {  	p0 =	sne.s32 s2, s5  }
.Ltmp3:
0x25: {  	[tilespmem:v3+s9+$0x0] =	vst.idx.add.f32.msk $0xffff, v2;
	(pc) =	sbr.rel @p0 .LBB2_2-.Ltmp3, $4  }
0x26: {  	[hbm4b:s3+s6] =	stream.strided.scatter [tilespmem:s9], [sflag:$0x1], $0x1000, s7, s6, $0x38;
	[tilespmem:$0x5000] =	vst v63  }
0x27: {  	_ =	swait.ge [sflag:s8], $0x1000  }
0x28: {  	[sflag:s8] =	ssyncset.done $0x0  }
0x29: {  	[sflag:s8] =	ssyncadd.s32 $0xFFFFF000  }
.LBB2_7:
0x2a: {  	_ =	sfence.sel $0x180000  }
0x2b: {  	[bflag:$0x0] =	sbarrier.arrive $0xFFFF  }
0x2c: {  	p0 =	sne.s32 s1, $0x0;
	_ =	strace $0x90000047  }
0x2d: {  	s0 =	sadd.s32 @!p0 $0x100000, s0;
	[bflag:$0x2] =	sbarrier.arrive $0xFFFF  }
0x2e: {  	[sflag:s0] =	ssyncadd.tile.s32 @!p0 $0x1;
	_ =	shalt  }
.Lfunc_end2:
_tile_overlayer_lowered:
.L_overlay_start_2:
0x2f: {  	(tag) =	ssettag $0x2  }
0x30: {  	s0 =	rddreg [dreg:$0x0];
	s2 =	stileid.u32  }
0x31: {  	s1 =	rddreg [dreg:$0x1];
	p0 =	sne.s32 s2, $0x0  }
0x32: {  	s3 =	rddreg [dreg:$0x2];
	[bflag:$0x3] =	sbarrier.arrive $0xFFFF;
	s2 =	simm.s32 @!p0 $0x1C01  }
0x33: {  	[timem:s3], [sflag:s2] =	dma.local @!p0 [hbm:s0], s1  }
0x34: {  	s0 =	simm.s32 @!p0 $0x1  }
0x35: {  	_ =	swait.ge @!p0 [sflag:s0], s1  }
0x36: {  	s1 =	ssub.s32 @!p0 $0x0, s1;
	[sflag:s0] =	ssyncset.done @!p0 $0x0  }
0x37: {  	[sflag:s0] =	ssyncadd.s32 @!p0 s1  }
0x38: {  	[bflag:$0x3] =	sbarrier.arrive $0xFFFF  }
0x39: {  	_ =	shalt  }

// kernel: kernel.9.cloned.1.call-start
scs
__scs_entry_jumppad:
0x0: {  	(pc) =	sbr.rel $0x88, $3  }
0x1: {  	(tag) =	ssettag $0x0;
	lr =	simm.s32 $0x1  }
0x2: {  	[smem:$0x3F9A] =	sst lr;
	_ =	strace $0xD0000000  }
0x3: {  	_ = 	snop  }
0x4: {  	_ = 	snop  }
0x5: {  	_ = 	snop  }
0x6: {  	_ = 	snop  }
0x7: {  	_ = 	snop  }
__scs_overlays_trampoline_lowered:
0x8: {  	[smem:$0x3FA9] =	sst s0  }
0x9: {  	[smem:$0x3FAA] =	sst s1  }
0xa: {  	[smem:$0x3FAB] =	sst s2  }
0xb: {  	[smem:$0x3FAC] =	sst s3  }
0xc: {  	[smem:$0x3FAD] =	sst s4  }
0xd: {  	[smem:$0x3FAE] =	sst s5  }
0xe: {  	[smem:$0x3FAF] =	sst s6  }
0xf: {  	[smem:$0x3FB0] =	sst s7  }
0x10: {  	[smem:$0x3FB1] =	sst s8  }
0x11: {  	[smem:$0x3FB2] =	sst s9;
	s0 =	simm.s32 @!p0 $0x0  }
0x12: {  	s1 =	sld [smem:$0x3F98];
	s0 =	simm.s32 @p0 $0x1  }
0x13: {  	[smem:$0x3FB3] =	sst s0;
	s0 =	simm.s32 @!p1 $0x0  }
0x14: {  	s2 =	sld [smem:$0x3F97];
	s0 =	simm.s32 @p1 $0x1  }
0x15: {  	[smem:$0x3FB4] =	sst s0;
	s0 =	simm.s32 @!p2 $0x0  }
0x16: {  	s3 =	sld [smem:$0x3FDB];
	s0 =	simm.s32 @p2 $0x1  }
0x17: {  	s4 =	simm.s32 $0x1BF5;
	[smem:$0x3FB6] =	sst s0  }
0x18: {  	s0 =	sld [smem:$0x3F99];
	_ =	swait.ge [sflag:s4], $0x0  }
0x19: {  	s7 =	sld [smem:$0x3F9A]  }
0x1a: {  	s8 =	sadd.s32 $0xFFFFE003, lr  }
0x1b: {  	s9 =	sadd.s32 $0xFFFFFEF7, lr;
	s5 =	simm.s32 $0xFFFFFFFF;
	p2 =	slt.u32 s8, $0xFFFFF086  }
0x1c: {  	p1 =	slt.u32 s9, $0xF7A;
	s5 =	simm.s32 @!p2 $0x0  }
0x1d: {  	s5 =	simm.s32 @p1 $0x1;
	p0 =	seq.s32 s7, s2  }
0x1e: {  	s7 =	smul.u32 @!p0 $0xF7A, s2;
	p2 =	seq.s32 @!p0 s5, $0x0  }
0x1f: {  	s9 =	smul.u32 $0xF7A, s1;
	s8 =	simm.s32 @!p0 $0x1BF5;
	p2 =	por !p2, p0  }
0x20: {  	[sflag:s8] =	ssyncset.s32 @!p0 $0xFFFFF086;
	s6 =	sadd.s32 @!p0 s3, s7;
	s7 =	simm.s32 @!p0 $0x108  }
0x21: {  	s3 =	sadd.s32 s3, s9;
	s6 =	sadd.s32 @!p0 $0x88, s6;
	s7 =	simm.s32 @p2 $0x1082  }
0x22: {  	[simem:s7], [sflag:s8] =	dma.local @!p0 [hbm:s6], $0xF7A  }
0x23: {  	s9 =	sor.u32 $0xD0000000, s2;
	s6 =	simm.s32 $0x108;
	_ =	swait.ge @!p0 [sflag:s8], $0x0  }
0x24: {  	s3 =	sadd.s32 $0x88, s3;
	s6 =	simm.s32 @!p1 $0x1082;
	[sflag:s4] =	ssyncset.s32 $0xFFFFF086  }
0x25: {  	[simem:s6], [sflag:s4] =	dma.local [hbm:s3], $0xF7A  }
0x26: {  	[smem:$0x3F9A] =	sst s1;
	(tag) =	ssettag s2;
	_ =	strace s9  }
0x27: {  	s1 =	sld [smem:$0x3FAA]  }
0x28: {  	s2 =	sld [smem:$0x3FAB]  }
0x29: {  	s4 =	sld [smem:$0x3FAD]  }
0x2a: {  	p0 =	seq.s32 s5, $0x0;
	s5 =	sld [smem:$0x3FAE]  }
0x2b: {  	s6 =	sld [smem:$0x3FAF]  }
0x2c: {  	s7 =	sld [smem:$0x3FB0]  }
0x2d: {  	s3 =	simm.s32 $0x108;
	s8 =	sld [smem:$0x3FB1]  }
0x2e: {  	s3 =	simm.s32 @!p0 $0x1082;
	s9 =	sld [smem:$0x3FB2]  }
0x2f: {  	lr =	sadd.s32 s0, s3;
	s0 =	sld [smem:$0x3FA9]  }
0x30: {  	s3 =	sld [smem:$0x3FAC]  }
0x31: {  	[smem:$0x3FB5] =	sst s10  }
0x32: {  	s10 =	sld [smem:$0x3FB3];
	_ =	sdelay $0x3  }
0x33: {  	p0 =	seq.s32 s10, $0x1;
	s10 =	sld [smem:$0x3FB5];
	_ =	sdelay $0x3  }
0x34: {  	[smem:$0x3FB5] =	sst s10  }
0x35: {  	s10 =	sld [smem:$0x3FB4];
	_ =	sdelay $0x3  }
0x36: {  	p1 =	seq.s32 s10, $0x1;
	s10 =	sld [smem:$0x3FB5];
	_ =	sdelay $0x3  }
0x37: {  	[smem:$0x3FB5] =	sst s10  }
0x38: {  	s10 =	sld [smem:$0x3FB6]  }
0x39: {  	_ = 	snop;
	(pc) =	sbr.ind lr, $3  }
0x3a: {  	_ = 	snop  }
0x3b: {  	_ = 	snop  }
0x3c: {  	p2 =	seq.s32 s10, $0x1;
	s10 =	sld [smem:$0x3FB5]  }
0x3d: {  	_ =	shalt  }
0x3e: {  	_ =	shalt  }
0x3f: {  	_ =	shalt  }
0x40: {  	_ =	shalt  }
0x41: {  	_ =	shalt  }
0x42: {  	_ =	shalt  }
0x43: {  	_ =	shalt  }
0x44: {  	_ =	shalt  }
0x45: {  	_ =	shalt  }
0x46: {  	_ =	shalt  }
0x47: {  	_ =	shalt  }
0x48: {  	_ =	shalt  }
0x49: {  	_ =	shalt  }
0x4a: {  	_ =	shalt  }
0x4b: {  	_ =	shalt  }
0x4c: {  	_ =	shalt  }
0x4d: {  	_ =	shalt  }
0x4e: {  	_ =	shalt  }
0x4f: {  	_ =	shalt  }
0x50: {  	_ =	shalt  }
0x51: {  	_ =	shalt  }
0x52: {  	_ =	shalt  }
0x53: {  	_ =	shalt  }
0x54: {  	_ =	shalt  }
0x55: {  	_ =	shalt  }
0x56: {  	_ =	shalt  }
0x57: {  	_ =	shalt  }
0x58: {  	_ =	shalt  }
0x59: {  	_ =	shalt  }
0x5a: {  	_ =	shalt  }
0x5b: {  	_ =	shalt  }
0x5c: {  	_ =	shalt  }
0x5d: {  	_ =	shalt  }
0x5e: {  	_ =	shalt  }
0x5f: {  	_ =	shalt  }
0x60: {  	_ =	shalt  }
0x61: {  	_ =	shalt  }
0x62: {  	_ =	shalt  }
0x63: {  	_ =	shalt  }
0x64: {  	_ =	shalt  }
0x65: {  	_ =	shalt  }
0x66: {  	_ =	shalt  }
0x67: {  	_ =	shalt  }
0x68: {  	_ =	shalt  }
0x69: {  	_ =	shalt  }
0x6a: {  	_ =	shalt  }
0x6b: {  	_ =	shalt  }
0x6c: {  	_ =	shalt  }
0x6d: {  	_ =	shalt  }
0x6e: {  	_ =	shalt  }
0x6f: {  	_ =	shalt  }
0x70: {  	_ =	shalt  }
0x71: {  	_ =	shalt  }
0x72: {  	_ =	shalt  }
0x73: {  	_ =	shalt  }
0x74: {  	_ =	shalt  }
0x75: {  	_ =	shalt  }
0x76: {  	_ =	shalt  }
0x77: {  	_ =	shalt  }
0x78: {  	_ =	shalt  }
0x79: {  	_ =	shalt  }
0x7a: {  	_ =	shalt  }
0x7b: {  	_ =	shalt  }
0x7c: {  	_ =	shalt  }
0x7d: {  	_ =	shalt  }
0x7e: {  	_ =	shalt  }
0x7f: {  	_ =	shalt  }
0x80: {  	_ =	shalt  }
0x81: {  	_ =	shalt  }
0x82: {  	_ =	shalt  }
0x83: {  	_ =	shalt  }
0x84: {  	_ =	shalt  }
0x85: {  	_ =	shalt  }
0x86: {  	_ =	shalt  }
0x87: {  	_ =	shalt  }
.Lfunc_end0:
.L_simem_size_0:
called_computation.1_lowered:
.L_overlay_start_0:
0x88: {  	s2 =	sld [smem:$0x3FD9]  }
0x89: {  	s3 =	sld [smem:$0x3FFE];
	_ =	sdelay $0x1  }
0x8a: {  	s1 =	srdreg.scid  }
0x8b: {  	s0 =	sand.u32 $0x1, s1  }
0x8c: {  	s17 =	sshll.u32 s0, $0xA;
	s2 =	sadd.s32 s3, s2  }
0x8d: {  	s2 =	sadd.s32 s2, s17  }
0x8e: {  	[smem:$0x3FC1] =	sst s2  }
0x8f: {  	_ = 	snop  }
0x90: {  	s2 =	sld [smem:$0x3FD0];
	(tm) =	ssettm $0x1  }
0x91: {  	s18 =	sld [smem:$0x3FFB];
	_ =	sdelay $0x3  }
0x92: {  	_ =	strace s18  }
0x93: {  	s3 =	sld [smem:$0x3FFC];
	_ =	sdelay $0x3  }
0x94: {  	_ =	strace s3  }
0x95: {  	s3 =	sld [smem:$0x3FFD];
	_ =	sdelay $0x3  }
0x96: {  	_ =	strace s3  }
0x97: {  	_ =	strace $0x8FFFFFFF  }
0x98: {  	s19 =	sld [smem:$0x3FDB];
	_ =	sdelay $0x1  }
0x99: {  	s4 =	simm.s32 $_scs_section_size  }
0x9a: {  	s5 =	simm.s32 $_size__tile_overlayer_lowered;
	s6 =	simm.s32 $_tile_overlayer_lowered  }
0x9b: {  	s22 =	simm.s32 $0x1BFF;
	s21 =	sshll.u32 s6, $0x1;
	s3 =	sadd.s32 s4, s19  }
0x9c: {  	s7 =	simm.s32 $0x0;
	s20 =	sshll.u32 s5, $0x1;
	s5 =	sadd.s32 s21, s3  }
0x9d: {  	[timem:s7], [sflag:s22] =	dma.local [hbm:s5], s20  }
0x9e: {  	_ =	swait.ge [sflag:s22], s20  }
0x9f: {  	s4 =	ssub.s32 $0x0, s20;
	[sflag:s22] =	ssyncset.done $0x0  }
0xa0: {  	[sflag:s22] =	ssyncadd.s32 s4;
	_ =	sdelay $0x1  }
0xa1: {  	s23 =	simm.s32 $0x1B8B  }
0xa2: {  	_ =	swait.ge [sflag:s23], $0x1  }
0xa3: {  	[sflag:s23] =	ssyncset.done $0x0  }
0xa4: {  	s25 =	simm.s32 $0x1B8E;
	s24 =	sld [smem:$0x3FFE];
	[sflag:s23] =	ssyncadd.s32 $0xFFFFFFFF  }
0xa5: {  	s26 =	simm.s32 $execute0_lowered;
	[smem:$0x3FD2] =	sst s25  }
0xa6: {  	s5 =	sshll.u32 s26, $0x1;
	_ =	strace $0x80000049;
	[dreg:$0x1] =	wrdreg $0xFFFFFFFF  }
0xa7: {  	s28 =	simm.s32 $_size_execute0_lowered;
	s3 =	sadd.s32 s3, s5;
	[dreg:$0x0] =	wrdreg $0x0  }
0xa8: {  	s5 =	sshll.u32 s28, $0x1;
	[dreg:$0x2] =	wrdreg s3  }
0xa9: {  	[dreg:$0x3] =	wrdreg s5  }
0xaa: {  	[dreg:$0x4] =	wrdreg $0xC0  }
0xab: {  	_ =	task [dreg:s7], $0x5FFFF  }
0xac: {  	[dreg:$0x1] =	wrdreg $0xFFFFFFFF  }
0xad: {  	[dreg:$0x0] =	wrdreg $0x60  }
0xae: {  	[dreg:$0x2] =	wrdreg s24  }
0xaf: {  	[dreg:$0x3] =	wrdreg s2  }
0xb0: {  	[dreg:$0x4] =	wrdreg $0x3D800  }
0xb1: {  	[dreg:$0x5] =	wrdreg $0x9  }
0xb2: {  	_ =	task.clear_ibuf [dreg:s7], $0x6FFFF;
	_ =	strace $0x90000049  }
0xb3: {  	s29 =	simm.s32 $0x9;
	_ =	strace $0x8000004B  }
0xb4: {  	_ =	swait.ge [sflag:s29], $0x1  }
0xb5: {  	[sflag:s29] =	ssyncadd.s32 $0xFFFFFFFF  }
0xb6: {  	_ =	strace $0x9000004B  }
0xb7: {  	_ =	sfence  }
0xb8: {  	s30 =	sld [smem:$0x0];
	_ =	sdelay $0x2  }
0xb9: {  	s31 =	sshll.u32 s1, $0xD;
	s1 =	sshrl.u32 s1, $0x2  }
0xba: {  	s3 =	sand.u32 $0x4000, s31;
	s1 =	sadd.s32 s1, s30  }
0xbb: {  	s0 =	sor.u32 s3, s0;
	s1 =	sshll.u32 s1, $0x11  }
0xbc: {  	s0 =	sor.u32 s1, s0  }
0xbd: {  	s0 =	sadd.s32 $0x8F2B, s0  }
0xbe: {  	[sflag:s0] =	ssyncadd.remote.s32 $0x1  }
0xbf: {  	_ =	sfence.sel $0xFFFF  }
0xc0: {  	[dreg:$0x0] =	wrdreg $0xFFFFFFFF;
	(pc) =	sbr.abs _section_cstart, $3  }
0xc1: {  	[dreg:$0x1] =	wrdreg $0xFFFFFFFF  }
0xc2: {  	_ =	task.clear_ibuf [dreg:s7], $0x2FFFF;
	_ =	strace $0x9FFFFFFF  }
0xc3: {  	(tm) =	ssettm $0x7FFFFFFF  }
tec
execute0_lowered:
.L_overlay_start_1:
0x0: {  	(tag) =	ssettag $0x1  }
0x1: {  	s1 =	srdreg.scid  }
0x2: {  	s0 =	stileid.u32;
	s5 =	rddreg [dreg:$0x0]  }
0x3: {  	s7 =	rddreg [dreg:$0x1];
	s11 =	simm.s32 $0x1400;
	s12 =	simm.s32 $0x80  }
0x4: {  	s13 =	simm.s32 $0x0;
	s3 =	sand.u32 $0x7, s0;
	s9 =	smul.u32 $0x1518, s0  }
0x5: {  	s4 =	sand.u32 $0x1, s1;
	s2 =	sshrl.u32 s0, $0x3;
	s8 =	smul.u32 $0x1400, s3  }
0x6: {  	s1 =	sshll.u32 s4, $0x1;
	s3 =	simm.s32 $0x0;
	s30 =	smul.u32 $0x15180, s4  }
0x7: {  	s4 =	ssub.s32 $0x2, s4;
	s1 =	sor.u32 s2, s1;
	s2 =	rddreg [dreg:$0x2]  }
0x8: {  	[smem:$0x7FF] =	sst s3;
	s31 =	sshrl.u32 s4, $0x1;
	s6 =	smul.u32 $0xA000, s1  }
0x9: {  	s1 =	rddreg [dreg:$0x3];
	_ =	strace $0x8000004A;
	s10 =	ssub.s32 s4, s31  }
0xa: {  	s4 =	sadd.s32 s9, s2;
	s6 =	sadd.s32 s8, s6;
	s8 =	sadd.s32 s9, s30  }
0xb: {  	s9 =	simm.s32 $0x2800;
	s6 =	sshrl.u32 s6, $0x3;
	s8 =	sshrl.u32 s8, $0x3  }
0xc: {  	s6 =	sadd.s32 s6, s5;
	s7 =	sadd.s32 s7, s8;
	s8 =	smax.u32 s10, $0x1  }
0xd: {  	v0 =	vimm.f32 $0.0e+00;
	s10 =	simm.s32 $0x1;
	s5 =	sadd.s32 $0x1400, s6;
	s6 =	sadd.s32 $0x6400, s6  }
.LBB2_1:
0xe: {  	s14 =	simm.s32 $0x40;
	s15 =	simm.s32 $0x0  }
.LBB2_2:
0xf: {  	p0 =	sne.s32 s14, $0x5440;
	[tilespmem:s15+$0x2800] =	vst v0;
	s15 =	smov.u32 s14;
	s14 =	sadd.s32 $0x40, s14  }
.Ltmp0:
0x10: {  	(pc) =	sbr.rel @p0 .LBB2_2-.Ltmp0, $2  }
0x11: {  	_ =	sdelay $0x2  }
0x12: {  	s15 =	sshra.s32 s15, $0x2  }
0x13: {  	[tilespmem:s15+$0x2800] =	vst v0  }
0x14: {  	[spmem:s4] =	stream.linear.scatter [tilespmem:s9], [sflag:$0x1], $0x1518, $0x38;
	[tilespmem:$0x5298] =	vst v63  }
0x15: {  	_ =	swait.ge [sflag:s10], $0x1518  }
0x16: {  	[sflag:s10] =	ssyncset.done $0x0  }
0x17: {  	[sflag:s10] =	ssyncadd.s32 $0xFFFFEAE8  }
0x18: {  	s14 =	simm.s32 $0x0;
	[bflag:$0x0] =	sbarrier.arrive $0xFFFF  }
0x19: {  	[tilespmem:s14], [sflag:$0x1] =	stream.linear.gather [hbm4b:s5+s14], $0x1180, $0x38;
	[tilespmem:$0x5298] =	vst v63  }
0x1a: {  	_ =	swait.ge [sflag:s10], $0x1180  }
0x1b: {  	[sflag:s10] =	ssyncset.done $0x0  }
0x1c: {  	[sflag:s10] =	ssyncadd.s32 $0xFFFFEE80  }
0x1d: {  	[tilespmem:s11], [sflag:$0x1] =	stream.linear.gather [hbm4b:s6+s14], $0x1180, $0x38;
	[tilespmem:$0x5298] =	vst v63  }
0x1e: {  	_ =	swait.ge [sflag:s10], $0x1180  }
0x1f: {  	[sflag:s10] =	ssyncset.done $0x0  }
0x20: {  	s30 =	simm.s32 $0x0;
	s31 =	simm.s32 $0x1400;
	[sflag:s10] =	ssyncadd.s32 $0xFFFFEE80  }
0x21: {  	[spmem:s2] =	stream.indirect.scatter.add.f32 [tilespmem:s31], [sflag:$0x1], $0x1, s30, s12, $0xb8;
	[tilespmem:$0x5298] =	vst v63  }
0x22: {  	s14 =	simm.s32 $0x200;
	_ =	swait.ge [sflag:s10], $0x80  }
.LBB2_4:
0x23: {  	s15 =	sshra.s32 s14, $0x2;
	[sflag:s10] =	ssyncset.done $0x0;
	p0 =	sne.s32 s14, $0x4400  }
.Ltmp1:
0x24: {  	s16 =	sadd.s32 $0x1400, s15;
	[sflag:s10] =	ssyncadd.s32 $0xFFFFFF80;
	(pc) =	sbr.rel @p0 .LBB2_4-.Ltmp1, $3  }
0x25: {  	[spmem:s2] =	stream.indirect.scatter.add.f32 [tilespmem:s16], [sflag:$0x1], $0x1, s15, s12, $0xb8;
	[tilespmem:$0x5298] =	vst v63  }
0x26: {  	s14 =	sadd.s32 $0x200, s14;
	_ =	sdelay $0x1  }
0x27: {  	_ =	swait.ge [sflag:s10], $0x80  }
0x28: {  	[sflag:s10] =	ssyncset.done $0x0  }
0x29: {  	[sflag:s10] =	ssyncadd.s32 $0xFFFFFF80  }
0x2a: {  	[bflag:$0x0] =	sbarrier.arrive $0xFFFF  }
0x2b: {  	[tilespmem:s9], [sflag:$0x1] =	stream.linear.gather [spmem:s4], $0x1518, $0x38;
	[tilespmem:$0x5298] =	vst v63  }
0x2c: {  	s13 =	sadd.s32 $0x1, s13;
	_ =	swait.ge [sflag:s10], $0x1518  }
0x2d: {  	p0 =	sne.s32 s13, s8;
	[sflag:s10] =	ssyncset.done $0x0  }
.Ltmp2:
0x2e: {  	[sflag:s10] =	ssyncadd.s32 $0xFFFFEAE8;
	(pc) =	sbr.rel @p0 .LBB2_1-.Ltmp2, $4  }
0x2f: {  	[hbm4b:s7+s3] =	stream.linear.scatter [tilespmem:s9], [sflag:$0x1], $0x1518, $0x38;
	[tilespmem:$0x5298] =	vst v63  }
0x30: {  	_ =	swait.ge [sflag:s10], $0x1518  }
0x31: {  	[sflag:s10] =	ssyncset.done $0x0  }
0x32: {  	[sflag:s10] =	ssyncadd.s32 $0xFFFFEAE8  }
0x33: {  	_ =	sfence.sel $0x180000  }
0x34: {  	[bflag:$0x0] =	sbarrier.arrive $0xFFFF  }
0x35: {  	p0 =	sne.s32 s0, $0x0;
	_ =	strace $0x9000004A  }
0x36: {  	s0 =	sadd.s32 @!p0 $0x100000, s1;
	[bflag:$0x2] =	sbarrier.arrive $0xFFFF  }
0x37: {  	[sflag:s0] =	ssyncadd.tile.s32 @!p0 $0x1;
	_ =	shalt  }
.Lfunc_end2:
_tile_overlayer_lowered:
.L_overlay_start_2:
0x38: {  	(tag) =	ssettag $0x2  }
0x39: {  	s0 =	rddreg [dreg:$0x0];
	s2 =	stileid.u32  }
0x3a: {  	s1 =	rddreg [dreg:$0x1];
	p0 =	sne.s32 s2, $0x0  }
0x3b: {  	s3 =	rddreg [dreg:$0x2];
	[bflag:$0x3] =	sbarrier.arrive $0xFFFF;
	s2 =	simm.s32 @!p0 $0x1C01  }
0x3c: {  	[timem:s3], [sflag:s2] =	dma.local @!p0 [hbm:s0], s1  }
0x3d: {  	s0 =	simm.s32 @!p0 $0x1  }
0x3e: {  	_ =	swait.ge @!p0 [sflag:s0], s1  }
0x3f: {  	s1 =	ssub.s32 @!p0 $0x0, s1;
	[sflag:s0] =	ssyncset.done @!p0 $0x0  }
0x40: {  	[sflag:s0] =	ssyncadd.s32 @!p0 s1  }
0x41: {  	[bflag:$0x3] =	sbarrier.arrive $0xFFFF  }
0x42: {  	_ =	shalt  }

</sc_bundles>
